<compile_context>
chip_gen: v7x
topology: tpu7x:2x2x1
jax: 0.10.2.dev20260603
libtpu: 0.0.44.dev20260713+nightly
codegen_flags: <defaults>
</compile_context>

<pallas_src>
import functools

import jax
import jax.numpy as jnp
from jax import lax
from jax.experimental import pallas as pl
from jax.experimental.pallas import tpu as pltpu
from jax.experimental.pallas import tpu_sc as plsc

N = 10000
E = 320000
D = 128
H = 64
OUT = 6
G = 64

NC = 2
NS = 16
NW = NC * NS
CH = 128
KCH = E // CH
NCHUNK = KCH // NW
NEXTRA = KCH - NCHUNK * NW
NBUF = 6
LG = 4
LS = NBUF - LG
N_PAD = 10240
ROWS_PT = N_PAD // NS

ROW_BLK = 1000
NBLK = (N // 2) // ROW_BLK


def _sc_scatter_add(table, ei3, zeros):
    mesh = plsc.VectorSubcoreMesh(core_axis_name="c", subcore_axis_name="s")

    @functools.partial(
        pl.kernel,
        out_type=jax.ShapeDtypeStruct((NC, N_PAD, H), jnp.float32),
        mesh=mesh,
        scratch_types=[
            pltpu.VMEM((NCHUNK, CH), jnp.int32),
            pltpu.VMEM((NCHUNK, CH), jnp.int32),
            pltpu.VMEM((1, CH), jnp.int32),
            pltpu.VMEM((1, CH), jnp.int32),
            [pltpu.VMEM((CH, H), jnp.float32)] * NBUF,
            pltpu.VMEM_SHARED((N_PAD, H), jnp.float32),
            [pltpu.SemaphoreType.DMA] * NBUF,
            [pltpu.SemaphoreType.DMA] * NBUF,
        ],
        compiler_params=pltpu.CompilerParams(use_tc_tiling_on_sc=False),
    )
    def k(table_hbm, ei_hbm, zeros_hbm, out_hbm,
          src_v, dst_v, esrc_v, edst_v, rows, acc_sh, gsems, ssems):
        c = lax.axis_index("c")
        s = lax.axis_index("s")
        w = c * NS + s
        r0 = s * ROWS_PT
        pltpu.sync_copy(ei_hbm.at[pl.ds(w * NCHUNK, NCHUNK), 0], src_v)
        pltpu.sync_copy(ei_hbm.at[pl.ds(w * NCHUNK, NCHUNK), 1], dst_v)
        for j in range(LG):
            pltpu.async_copy(table_hbm.at[src_v.at[j]], rows[j], gsems[j])
        pltpu.sync_copy(zeros_hbm.at[pl.ds(r0, ROWS_PT)],
                        acc_sh.at[pl.ds(r0, ROWS_PT)])
        plsc.subcore_barrier()


        def body(g, carry):
            for u in range(NBUF):
                j = NBUF * g + u
                un = (u + LG) % NBUF
                pltpu.make_async_copy(table_hbm.at[src_v.at[j]],
                                      rows[u], gsems[u]).wait()
                pltpu.async_copy(rows[u], acc_sh.at[dst_v.at[j]],
                                 ssems[u], add=True)

                @pl.when(j >= LS)
                def _():
                    pltpu.make_async_copy(rows[un], acc_sh.at[dst_v.at[0]],
                                          ssems[un]).wait()

                @pl.when(j + LG < NCHUNK)
                def _():
                    pltpu.async_copy(table_hbm.at[src_v.at[j + LG]],
                                     rows[un], gsems[un])

            return carry

        lax.fori_loop(0, NCHUNK // NBUF, body, 0)
        for j in range(NCHUNK - LS, NCHUNK):
            pltpu.make_async_copy(rows[j % NBUF], acc_sh.at[dst_v.at[0]],
                                  ssems[j % NBUF]).wait()

        @pl.when(w < NEXTRA)
        def _():
            base = NW * NCHUNK + w
            pltpu.sync_copy(ei_hbm.at[pl.ds(base, 1), 0], esrc_v)
            pltpu.sync_copy(ei_hbm.at[pl.ds(base, 1), 1], edst_v)
            pltpu.async_copy(table_hbm.at[esrc_v.at[0]], rows[0],
                             gsems[0]).wait()
            pltpu.sync_copy(rows[0], acc_sh.at[edst_v.at[0]], add=True)

        plsc.subcore_barrier()
        pltpu.sync_copy(acc_sh.at[pl.ds(r0, ROWS_PT)],
                        out_hbm.at[c, pl.ds(r0, ROWS_PT)])

    return k(table, ei3, zeros)


def _mm_first(x, W):
    def body(xt_ref, xb_ref, w_ref, o_ref):
        ye = jnp.dot(xt_ref[...], w_ref[...],
                     preferred_element_type=jnp.float32)
        yo = jnp.dot(xb_ref[...], w_ref[...],
                     preferred_element_type=jnp.float32)
        o_ref[...] = jnp.concatenate([ye, yo], axis=1)

    return pl.pallas_call(
        body,
        grid=(NBLK,),
        in_specs=[
            pl.BlockSpec((ROW_BLK, D), lambda i: (i, 0)),
            pl.BlockSpec((ROW_BLK, D), lambda i: (i + NBLK, 0)),
            pl.BlockSpec((D, H), lambda i: (0, 0)),
        ],
        out_specs=pl.BlockSpec((ROW_BLK, 2 * H), lambda i: (i, 0)),
        out_shape=jax.ShapeDtypeStruct((N // 2, 2 * H), jnp.float32),
    )(x, x, W)


def _mlp_after_agg1(y1p, parts, b1a2, W1b2, b1b2):
    def body(y_ref, p_ref, ba_ref, w_ref, bb_ref, o_ref):
        t = y_ref[...] + p_ref[0] + p_ref[1] + ba_ref[...]
        t = jnp.maximum(t, 0.0)
        t = jnp.dot(t, w_ref[...], preferred_element_type=jnp.float32)
        o_ref[...] = jnp.maximum(t + bb_ref[...], 0.0)

    return pl.pallas_call(
        body,
        grid=(NBLK,),
        in_specs=[
            pl.BlockSpec((ROW_BLK, 2 * H), lambda i: (i, 0)),
            pl.BlockSpec((NC, ROW_BLK, 2 * H), lambda i: (0, i, 0)),
            pl.BlockSpec((1, 2 * H), lambda i: (0, 0)),
            pl.BlockSpec((2 * H, 2 * H), lambda i: (0, 0)),
            pl.BlockSpec((1, 2 * H), lambda i: (0, 0)),
        ],
        out_specs=pl.BlockSpec((ROW_BLK, 2 * H), lambda i: (i, 0)),
        out_shape=jax.ShapeDtypeStruct((N // 2, 2 * H), jnp.float32),
    )(y1p, parts, b1a2, W1b2, b1b2)


def _mlp2_pool_final(hp, parts, batchE, batchO, b2a2, W2a2, b2b2, W2b2,
                     Wl, bl2):
    def body(h_ref, q_ref, bE_ref, bO_ref, ba_ref, wa_ref, bb_ref, wb_ref,
             wl_ref, bl_ref, o_ref, acc, cnt):
        i = pl.program_id(0)

        @pl.when(i == 0)
        def _():
            acc[...] = jnp.zeros_like(acc)
            cnt[...] = jnp.zeros_like(cnt)

        t = h_ref[...] + q_ref[0] + q_ref[1]
        t = jnp.dot(t, wa_ref[...], preferred_element_type=jnp.float32)
        t = jnp.maximum(t + ba_ref[...], 0.0)
        o2 = jnp.dot(t, wb_ref[...], preferred_element_type=jnp.float32)
        o2 = o2 + bb_ref[...]
        gi = lax.broadcasted_iota(jnp.int32, (G, ROW_BLK), 0)
        ohE = (jnp.broadcast_to(bE_ref[0], (G, ROW_BLK)) == gi)
        ohO = (jnp.broadcast_to(bO_ref[0], (G, ROW_BLK)) == gi)
        ohE = ohE.astype(jnp.float32)
        ohO = ohO.astype(jnp.float32)
        acc[...] += (jnp.dot(ohE, o2[:, :H],
                             preferred_element_type=jnp.float32)
                     + jnp.dot(ohO, o2[:, H:],
                               preferred_element_type=jnp.float32))
        cnt[...] += (jnp.sum(ohE, axis=1, keepdims=True)
                     + jnp.sum(ohO, axis=1, keepdims=True))

        @pl.when(i == pl.num_programs(0) - 1)
        def _():
            pooled = acc[...] / jnp.maximum(cnt[...], 1.0)
            o_ref[...] = (jnp.dot(pooled, wl_ref[...],
                                  preferred_element_type=jnp.float32)
                          + bl_ref[...])

    return pl.pallas_call(
        body,
        grid=(NBLK,),
        in_specs=[
            pl.BlockSpec((ROW_BLK, 2 * H), lambda i: (i, 0)),
            pl.BlockSpec((NC, ROW_BLK, 2 * H), lambda i: (0, i, 0)),
            pl.BlockSpec((1, 1, ROW_BLK), lambda i: (i, 0, 0)),
            pl.BlockSpec((1, 1, ROW_BLK), lambda i: (i, 0, 0)),
            pl.BlockSpec((1, 2 * H), lambda i: (0, 0)),
            pl.BlockSpec((2 * H, 2 * H), lambda i: (0, 0)),
            pl.BlockSpec((1, 2 * H), lambda i: (0, 0)),
            pl.BlockSpec((2 * H, 2 * H), lambda i: (0, 0)),
            pl.BlockSpec((H, OUT), lambda i: (0, 0)),
            pl.BlockSpec((1, OUT), lambda i: (0, 0)),
        ],
        out_specs=pl.BlockSpec((G, OUT), lambda i: (0, 0)),
        out_shape=jax.ShapeDtypeStruct((G, OUT), jnp.float32),
        scratch_shapes=[
            pltpu.VMEM((G, H), jnp.float32),
            pltpu.VMEM((G, 1), jnp.float32),
        ],
    )(hp, parts, batchE, batchO, b2a2, W2a2, b2b2, W2b2, Wl, bl2)


def _blockdiag(W):
    Z = jnp.zeros_like(W)
    return jnp.concatenate(
        [jnp.concatenate([W, Z], axis=1),
         jnp.concatenate([Z, W], axis=1)], axis=0)


def _pairb(b):
    return jnp.concatenate([b, b]).reshape(1, 2 * H)


def kernel(x, ei, batch, W1a, b1a, W1b, b1b, W2a, b2a, W2b, b2b, Wl, bl):
    eim = ei * 2 - jnp.where(ei >= N // 2, N - 1, 0)
    ei3 = eim.reshape(2, KCH, CH).transpose(1, 0, 2)
    zeros = jnp.zeros((N_PAD, H), jnp.float32)
    batchE = batch[: N // 2].reshape(NBLK, 1, ROW_BLK)
    batchO = batch[N // 2:].reshape(NBLK, 1, ROW_BLK)
    W1b2 = _blockdiag(W1b)
    W2a2 = _blockdiag(W2a)
    W2b2 = _blockdiag(W2b)
    b1a2 = _pairb(b1a)
    b1b2 = _pairb(b1b)
    b2a2 = _pairb(b2a)
    b2b2 = _pairb(b2b)
    bl2 = bl.reshape(1, OUT)

    y1p = _mm_first(x, W1a)
    parts1 = _sc_scatter_add(y1p.reshape(N, H), ei3, zeros)
    parts1 = parts1.reshape(NC, N_PAD // 2, 2 * H)
    hp = _mlp_after_agg1(y1p, parts1, b1a2, W1b2, b1b2)
    parts2 = _sc_scatter_add(hp.reshape(N, H), ei3, zeros)
    parts2 = parts2.reshape(NC, N_PAD // 2, 2 * H)
    return _mlp2_pool_final(hp, parts2, batchE, batchO, b2a2, W2a2, b2b2,
                            W2b2, Wl, bl2)

# --- scband reference (transcript-rebuilt; emitter-appended) ---
"""Pipeline reference for scband-gin-22316650070138 (READ-ONLY COPY).

The authoritative reference and input builder live on the scoring server;
editing this copy changes nothing except your own understanding.
"""

import jax, jax.numpy as jnp
import numpy as np

N = 10000
E = 320000
D = 128
H = 64
OUT = 6
G = 64


def setup_inputs(seed: int = 0) -> dict:
    key = jax.random.key(seed)
    ks = jax.random.split(key, 16)
    x = jax.random.normal(ks[0], (N, D), dtype=jnp.float32)
    ei = jax.random.randint(ks[1], (2, E), 0, N, dtype=jnp.int32)
    batch = jnp.sort(jax.random.randint(ks[2], (N,), 0, G, dtype=jnp.int32))
    def lin_init(k, fan_in, fan_out):
        bound = 1.0 / np.sqrt(fan_in)
        kw, kb = jax.random.split(k)
        W = jax.random.uniform(kw, (fan_in, fan_out), minval=-bound, maxval=bound, dtype=jnp.float32)
        b = jax.random.uniform(kb, (fan_out,), minval=-bound, maxval=bound, dtype=jnp.float32)
        return W, b
    W1a, b1a = lin_init(ks[3], D, H)
    W1b, b1b = lin_init(ks[4], H, H)
    W2a, b2a = lin_init(ks[5], H, H)
    W2b, b2b = lin_init(ks[6], H, H)
    Wl, bl = lin_init(ks[7], H, OUT)
    return {"x": x, "ei": ei, "batch": batch,
            "W1a": W1a, "b1a": b1a, "W1b": W1b, "b1b": b1b,
            "W2a": W2a, "b2a": b2a, "W2b": W2b, "b2b": b2b,
            "Wl": Wl, "bl": bl}


def _gin_conv(x, ei, Wa, ba, Wb, bb):
    # GINConv with eps=0 (default, not trainable): mlp((1+eps)*x + sum_{j in N(i)} x_j)
    src = ei[0]
    dst = ei[1]
    agg = jnp.zeros_like(x).at[dst].add(x[src])
    h = x + agg
    h = jnp.maximum(h @ Wa + ba, 0.0)
    h = h @ Wb + bb
    return h


def reference(x, ei, batch, W1a, b1a, W1b, b1b, W2a, b2a, W2b, b2b, Wl, bl):
    h = _gin_conv(x, ei, W1a, b1a, W1b, b1b)
    h = jnp.maximum(h, 0.0)
    # dropout is identity in eval mode
    h = _gin_conv(h, ei, W2a, b2a, W2b, b2b)
    # global_mean_pool over graph ids
    sums = jax.ops.segment_sum(h, batch, num_segments=G)
    counts = jax.ops.segment_sum(jnp.ones((h.shape[0], 1), dtype=h.dtype), batch, num_segments=G)
    pooled = sums / jnp.maximum(counts, 1.0)
    return pooled @ Wl + bl

if __name__ == "__main__":
    import jax
    _d = setup_inputs()
    print(jax.jit(kernel)(*tuple(_d.values())))

</pallas_src>

<mosaic_0001>
#map = affine_map<(d0, d1) -> (0, 0)>
#map1 = affine_map<(d0, d1) -> (0, 0, 0)>
module attributes {stable_mosaic.version = 14 : i64} {
  func.func @k(%arg0: i32, %arg1: i32, %arg2: memref<10000x64xf32, #tpu.memory_space<hbm>>, %arg3: memref<2500x2x128xi32, #tpu.memory_space<hbm>>, %arg4: memref<10240x64xf32, #tpu.memory_space<hbm>>, %arg5: memref<2x10240x64xf32, #tpu.memory_space<hbm>>, %arg6: memref<78x128xi32, #tpu.memory_space<vmem>>, %arg7: memref<78x128xi32, #tpu.memory_space<vmem>>, %arg8: memref<1x128xi32, #tpu.memory_space<vmem>>, %arg9: memref<1x128xi32, #tpu.memory_space<vmem>>, %arg10: memref<128x64xf32, #tpu.memory_space<vmem>>, %arg11: memref<128x64xf32, #tpu.memory_space<vmem>>, %arg12: memref<128x64xf32, #tpu.memory_space<vmem>>, %arg13: memref<128x64xf32, #tpu.memory_space<vmem>>, %arg14: memref<128x64xf32, #tpu.memory_space<vmem>>, %arg15: memref<128x64xf32, #tpu.memory_space<vmem>>, %arg16: memref<10240x64xf32, #tpu.memory_space<vmem_shared>>, %arg17: memref<!tpu.dma_semaphore, #tpu.memory_space<semaphore_mem>>, %arg18: memref<!tpu.dma_semaphore, #tpu.memory_space<semaphore_mem>>, %arg19: memref<!tpu.dma_semaphore, #tpu.memory_space<semaphore_mem>>, %arg20: memref<!tpu.dma_semaphore, #tpu.memory_space<semaphore_mem>>, %arg21: memref<!tpu.dma_semaphore, #tpu.memory_space<semaphore_mem>>, %arg22: memref<!tpu.dma_semaphore, #tpu.memory_space<semaphore_mem>>, %arg23: memref<!tpu.dma_semaphore, #tpu.memory_space<semaphore_mem>>, %arg24: memref<!tpu.dma_semaphore, #tpu.memory_space<semaphore_mem>>, %arg25: memref<!tpu.dma_semaphore, #tpu.memory_space<semaphore_mem>>, %arg26: memref<!tpu.dma_semaphore, #tpu.memory_space<semaphore_mem>>, %arg27: memref<!tpu.dma_semaphore, #tpu.memory_space<semaphore_mem>>, %arg28: memref<!tpu.dma_semaphore, #tpu.memory_space<semaphore_mem>>) attributes {dimension_semantics = [#tpu.dimension_semantics<core_parallel>, #tpu.dimension_semantics<subcore_parallel>], iteration_bounds = array<i64: 2, 16>, scalar_prefetch = 0 : i64, scratch_operands = 23 : i64, tpu.core_type = #tpu.core_type<sc_vector_subcore>, window_params = [{transform_indices = #map}, {transform_indices = #map1}, {transform_indices = #map}, {transform_indices = #map1}]} {
    %mul3A = arith.constant 16 : i32
    %mul3A_0 = arith.muli %arg0, %mul3A : i32
    %add3A = arith.addi %mul3A_0, %arg1 : i32
    %mul3A_1 = arith.constant 640 : i32
    %mul3A_2 = arith.muli %arg1, %mul3A_1 : i32
    %mul3A_3 = arith.constant 78 : i32
    %mul3A_4 = arith.muli %add3A, %mul3A_3 : i32
    %run_scoped3A = arith.constant 0 : i32
    "tpu.region"() ({
      %run_scoped3A_56 = tpu.sem_alloc : memref<!tpu.dma_semaphore, #tpu.memory_space<semaphore_mem>>
      %dma_start3A_57 = arith.constant 0 : i32
      %dma_start3A_58 = tpu.memref_slice %arg3[%mul3A_4, %run_scoped3A, %dma_start3A_57] : memref<2500x2x128xi32, #tpu.memory_space<hbm>> -> memref<78x1x128xi32, #tpu.memory_space<hbm>>
      %dma_start3A_59 = tpu.memref_squeeze %dma_start3A_58 : memref<78x1x128xi32, #tpu.memory_space<hbm>> -> memref<78x128xi32, #tpu.memory_space<hbm>>
      %dma_start3A_60 = arith.constant 0 : i32
      %dma_start3A_61 = tpu.memref_slice %arg3[%mul3A_4, %run_scoped3A, %dma_start3A_60] : memref<2500x2x128xi32, #tpu.memory_space<hbm>> -> memref<78x1x128xi32, #tpu.memory_space<hbm>>
      %dma_start3A_62 = tpu.memref_squeeze %dma_start3A_61 : memref<78x1x128xi32, #tpu.memory_space<hbm>> -> memref<78x128xi32, #tpu.memory_space<hbm>>
      tpu.enqueue_dma source(%dma_start3A_62 : memref<78x128xi32, #tpu.memory_space<hbm>>) target(%arg6 : memref<78x128xi32, #tpu.memory_space<vmem>>) target_semaphore(%run_scoped3A_56 : memref<!tpu.dma_semaphore, #tpu.memory_space<semaphore_mem>>)
      %dma_wait3A_63 = arith.constant 0 : i32
      %dma_wait3A_64 = tpu.memref_slice %arg3[%mul3A_4, %run_scoped3A, %dma_wait3A_63] : memref<2500x2x128xi32, #tpu.memory_space<hbm>> -> memref<78x1x128xi32, #tpu.memory_space<hbm>>
      %dma_wait3A_65 = tpu.memref_squeeze %dma_wait3A_64 : memref<78x1x128xi32, #tpu.memory_space<hbm>> -> memref<78x128xi32, #tpu.memory_space<hbm>>
      %dma_wait3A_66 = arith.constant 0 : i32
      %dma_wait3A_67 = tpu.memref_slice %arg3[%mul3A_4, %run_scoped3A, %dma_wait3A_66] : memref<2500x2x128xi32, #tpu.memory_space<hbm>> -> memref<78x1x128xi32, #tpu.memory_space<hbm>>
      %dma_wait3A_68 = tpu.memref_squeeze %dma_wait3A_67 : memref<78x1x128xi32, #tpu.memory_space<hbm>> -> memref<78x128xi32, #tpu.memory_space<hbm>>
      tpu.wait_dma2 semaphore(%run_scoped3A_56 : memref<!tpu.dma_semaphore, #tpu.memory_space<semaphore_mem>>) src(%dma_wait3A_68 : memref<78x128xi32, #tpu.memory_space<hbm>>) dst(%arg6 : memref<78x128xi32, #tpu.memory_space<vmem>>)
      tpu.yield
    }) : () -> ()
    %mul3A_5 = arith.constant 78 : i32
    %mul3A_6 = arith.muli %add3A, %mul3A_5 : i32
    %run_scoped3A_7 = arith.constant 1 : i32
    "tpu.region"() ({
      %run_scoped3A_56 = tpu.sem_alloc : memref<!tpu.dma_semaphore, #tpu.memory_space<semaphore_mem>>
      %dma_start3A_57 = arith.constant 0 : i32
      %dma_start3A_58 = tpu.memref_slice %arg3[%mul3A_6, %run_scoped3A_7, %dma_start3A_57] : memref<2500x2x128xi32, #tpu.memory_space<hbm>> -> memref<78x1x128xi32, #tpu.memory_space<hbm>>
      %dma_start3A_59 = tpu.memref_squeeze %dma_start3A_58 : memref<78x1x128xi32, #tpu.memory_space<hbm>> -> memref<78x128xi32, #tpu.memory_space<hbm>>
      %dma_start3A_60 = arith.constant 0 : i32
      %dma_start3A_61 = tpu.memref_slice %arg3[%mul3A_6, %run_scoped3A_7, %dma_start3A_60] : memref<2500x2x128xi32, #tpu.memory_space<hbm>> -> memref<78x1x128xi32, #tpu.memory_space<hbm>>
      %dma_start3A_62 = tpu.memref_squeeze %dma_start3A_61 : memref<78x1x128xi32, #tpu.memory_space<hbm>> -> memref<78x128xi32, #tpu.memory_space<hbm>>
      tpu.enqueue_dma source(%dma_start3A_62 : memref<78x128xi32, #tpu.memory_space<hbm>>) target(%arg7 : memref<78x128xi32, #tpu.memory_space<vmem>>) target_semaphore(%run_scoped3A_56 : memref<!tpu.dma_semaphore, #tpu.memory_space<semaphore_mem>>)
      %dma_wait3A_63 = arith.constant 0 : i32
      %dma_wait3A_64 = tpu.memref_slice %arg3[%mul3A_6, %run_scoped3A_7, %dma_wait3A_63] : memref<2500x2x128xi32, #tpu.memory_space<hbm>> -> memref<78x1x128xi32, #tpu.memory_space<hbm>>
      %dma_wait3A_65 = tpu.memref_squeeze %dma_wait3A_64 : memref<78x1x128xi32, #tpu.memory_space<hbm>> -> memref<78x128xi32, #tpu.memory_space<hbm>>
      %dma_wait3A_66 = arith.constant 0 : i32
      %dma_wait3A_67 = tpu.memref_slice %arg3[%mul3A_6, %run_scoped3A_7, %dma_wait3A_66] : memref<2500x2x128xi32, #tpu.memory_space<hbm>> -> memref<78x1x128xi32, #tpu.memory_space<hbm>>
      %dma_wait3A_68 = tpu.memref_squeeze %dma_wait3A_67 : memref<78x1x128xi32, #tpu.memory_space<hbm>> -> memref<78x128xi32, #tpu.memory_space<hbm>>
      tpu.wait_dma2 semaphore(%run_scoped3A_56 : memref<!tpu.dma_semaphore, #tpu.memory_space<semaphore_mem>>) src(%dma_wait3A_68 : memref<78x128xi32, #tpu.memory_space<hbm>>) dst(%arg7 : memref<78x128xi32, #tpu.memory_space<vmem>>)
      tpu.yield
    }) : () -> ()
    %dma_start3A = arith.constant 0 : i32
    %dma_start3A_8 = arith.constant 0 : i32
    %dma_start3A_9 = tpu.memref_slice %arg6[%dma_start3A, %dma_start3A_8] : memref<78x128xi32, #tpu.memory_space<vmem>> -> memref<1x128xi32, #tpu.memory_space<vmem>>
    %dma_start3A_10 = tpu.memref_squeeze %dma_start3A_9 : memref<1x128xi32, #tpu.memory_space<vmem>> -> memref<128xi32, #tpu.memory_space<vmem>>
    %dma_start3A_11 = arith.constant 0 : i32
    %dma_start3A_12 = arith.constant 0 : i32
    %dma_start3A_13 = tpu.memref_slice %arg2[%dma_start3A_11, %dma_start3A_12] : memref<10000x64xf32, #tpu.memory_space<hbm>> -> memref<10000x64xf32, #tpu.memory_space<hbm>>
    tpu.enqueue_indirect_dma source(%dma_start3A_13 : memref<10000x64xf32, #tpu.memory_space<hbm>>) target(%arg10 : memref<128x64xf32, #tpu.memory_space<vmem>>) offsets(%dma_start3A_10 : memref<128xi32, #tpu.memory_space<vmem>>) semaphore(%arg17 : memref<!tpu.dma_semaphore, #tpu.memory_space<semaphore_mem>>)
    %dma_start3A_14 = arith.constant 1 : i32
    %dma_start3A_15 = arith.constant 0 : i32
    %dma_start3A_16 = tpu.memref_slice %arg6[%dma_start3A_14, %dma_start3A_15] : memref<78x128xi32, #tpu.memory_space<vmem>> -> memref<1x128xi32, #tpu.memory_space<vmem>>
    %dma_start3A_17 = tpu.memref_squeeze %dma_start3A_16 : memref<1x128xi32, #tpu.memory_space<vmem>> -> memref<128xi32, #tpu.memory_space<vmem>>
    %dma_start3A_18 = arith.constant 0 : i32
    %dma_start3A_19 = arith.constant 0 : i32
    %dma_start3A_20 = tpu.memref_slice %arg2[%dma_start3A_18, %dma_start3A_19] : memref<10000x64xf32, #tpu.memory_space<hbm>> -> memref<10000x64xf32, #tpu.memory_space<hbm>>
    tpu.enqueue_indirect_dma source(%dma_start3A_20 : memref<10000x64xf32, #tpu.memory_space<hbm>>) target(%arg11 : memref<128x64xf32, #tpu.memory_space<vmem>>) offsets(%dma_start3A_17 : memref<128xi32, #tpu.memory_space<vmem>>) semaphore(%arg18 : memref<!tpu.dma_semaphore, #tpu.memory_space<semaphore_mem>>)
    %dma_start3A_21 = arith.constant 2 : i32
    %dma_start3A_22 = arith.constant 0 : i32
    %dma_start3A_23 = tpu.memref_slice %arg6[%dma_start3A_21, %dma_start3A_22] : memref<78x128xi32, #tpu.memory_space<vmem>> -> memref<1x128xi32, #tpu.memory_space<vmem>>
    %dma_start3A_24 = tpu.memref_squeeze %dma_start3A_23 : memref<1x128xi32, #tpu.memory_space<vmem>> -> memref<128xi32, #tpu.memory_space<vmem>>
    %dma_start3A_25 = arith.constant 0 : i32
    %dma_start3A_26 = arith.constant 0 : i32
    %dma_start3A_27 = tpu.memref_slice %arg2[%dma_start3A_25, %dma_start3A_26] : memref<10000x64xf32, #tpu.memory_space<hbm>> -> memref<10000x64xf32, #tpu.memory_space<hbm>>
    tpu.enqueue_indirect_dma source(%dma_start3A_27 : memref<10000x64xf32, #tpu.memory_space<hbm>>) target(%arg12 : memref<128x64xf32, #tpu.memory_space<vmem>>) offsets(%dma_start3A_24 : memref<128xi32, #tpu.memory_space<vmem>>) semaphore(%arg19 : memref<!tpu.dma_semaphore, #tpu.memory_space<semaphore_mem>>)
    %dma_start3A_28 = arith.constant 3 : i32
    %dma_start3A_29 = arith.constant 0 : i32
    %dma_start3A_30 = tpu.memref_slice %arg6[%dma_start3A_28, %dma_start3A_29] : memref<78x128xi32, #tpu.memory_space<vmem>> -> memref<1x128xi32, #tpu.memory_space<vmem>>
    %dma_start3A_31 = tpu.memref_squeeze %dma_start3A_30 : memref<1x128xi32, #tpu.memory_space<vmem>> -> memref<128xi32, #tpu.memory_space<vmem>>
    %dma_start3A_32 = arith.constant 0 : i32
    %dma_start3A_33 = arith.constant 0 : i32
    %dma_start3A_34 = tpu.memref_slice %arg2[%dma_start3A_32, %dma_start3A_33] : memref<10000x64xf32, #tpu.memory_space<hbm>> -> memref<10000x64xf32, #tpu.memory_space<hbm>>
    tpu.enqueue_indirect_dma source(%dma_start3A_34 : memref<10000x64xf32, #tpu.memory_space<hbm>>) target(%arg13 : memref<128x64xf32, #tpu.memory_space<vmem>>) offsets(%dma_start3A_31 : memref<128xi32, #tpu.memory_space<vmem>>) semaphore(%arg20 : memref<!tpu.dma_semaphore, #tpu.memory_space<semaphore_mem>>)
    "tpu.region"() ({
      %run_scoped3A_56 = tpu.sem_alloc : memref<!tpu.dma_semaphore, #tpu.memory_space<semaphore_mem>>
      %dma_start3A_57 = arith.constant 0 : i32
      %dma_start3A_58 = tpu.memref_slice %arg16[%mul3A_2, %dma_start3A_57] : memref<10240x64xf32, #tpu.memory_space<vmem_shared>> -> memref<640x64xf32, #tpu.memory_space<vmem_shared>>
      %dma_start3A_59 = arith.constant 0 : i32
      %dma_start3A_60 = tpu.memref_slice %arg4[%mul3A_2, %dma_start3A_59] : memref<10240x64xf32, #tpu.memory_space<hbm>> -> memref<640x64xf32, #tpu.memory_space<hbm>>
      tpu.enqueue_dma source(%dma_start3A_60 : memref<640x64xf32, #tpu.memory_space<hbm>>) target(%dma_start3A_58 : memref<640x64xf32, #tpu.memory_space<vmem_shared>>) target_semaphore(%run_scoped3A_56 : memref<!tpu.dma_semaphore, #tpu.memory_space<semaphore_mem>>)
      %dma_wait3A_61 = arith.constant 0 : i32
      %dma_wait3A_62 = tpu.memref_slice %arg16[%mul3A_2, %dma_wait3A_61] : memref<10240x64xf32, #tpu.memory_space<vmem_shared>> -> memref<640x64xf32, #tpu.memory_space<vmem_shared>>
      %dma_wait3A_63 = arith.constant 0 : i32
      %dma_wait3A_64 = tpu.memref_slice %arg4[%mul3A_2, %dma_wait3A_63] : memref<10240x64xf32, #tpu.memory_space<hbm>> -> memref<640x64xf32, #tpu.memory_space<hbm>>
      tpu.wait_dma2 semaphore(%run_scoped3A_56 : memref<!tpu.dma_semaphore, #tpu.memory_space<semaphore_mem>>) src(%dma_wait3A_64 : memref<640x64xf32, #tpu.memory_space<hbm>>) dst(%dma_wait3A_62 : memref<640x64xf32, #tpu.memory_space<vmem_shared>>)
      tpu.yield
    }) : () -> ()
    %barrier3A = arith.constant 0 : index
    tpu.barrier barrier_id(%barrier3A)
    %scan3A = arith.constant 0 : i32
    %scan3A_35 = arith.constant 0 : i32
    %scan3A_36 = arith.constant 13 : i32
    %scan3A_37 = arith.addi %scan3A_35, %scan3A_36 : i32
    %scan3A_38 = arith.constant 1 : i32
    scf.for %scan3A_56 = %scan3A_35 to %scan3A_37 step %scan3A_38  : i32 {
      %mul3A_57 = arith.constant 6 : i32
      %mul3A_58 = arith.muli %mul3A_57, %scan3A_56 : i32
      %add3A_59 = arith.constant 0 : i32
      %add3A_60 = arith.addi %mul3A_58, %add3A_59 : i32
      %dma_wait3A_61 = arith.constant 0 : i32
      %dma_wait3A_62 = tpu.memref_slice %arg6[%add3A_60, %dma_wait3A_61] : memref<78x128xi32, #tpu.memory_space<vmem>> -> memref<1x128xi32, #tpu.memory_space<vmem>>
      %dma_wait3A_63 = tpu.memref_squeeze %dma_wait3A_62 : memref<1x128xi32, #tpu.memory_space<vmem>> -> memref<128xi32, #tpu.memory_space<vmem>>
      %dma_wait3A_64 = arith.constant 0 : i32
      %dma_wait3A_65 = arith.constant 0 : i32
      %dma_wait3A_66 = tpu.memref_slice %arg2[%dma_wait3A_64, %dma_wait3A_65] : memref<10000x64xf32, #tpu.memory_space<hbm>> -> memref<10000x64xf32, #tpu.memory_space<hbm>>
      tpu.wait_indirect_dma semaphore(%arg17 : memref<!tpu.dma_semaphore, #tpu.memory_space<semaphore_mem>>) src(%dma_wait3A_66 : memref<10000x64xf32, #tpu.memory_space<hbm>>) dst(%arg10 : memref<128x64xf32, #tpu.memory_space<vmem>>)
      %dma_start3A_67 = arith.constant 0 : i32
      %dma_start3A_68 = tpu.memref_slice %arg7[%add3A_60, %dma_start3A_67] : memref<78x128xi32, #tpu.memory_space<vmem>> -> memref<1x128xi32, #tpu.memory_space<vmem>>
      %dma_start3A_69 = tpu.memref_squeeze %dma_start3A_68 : memref<1x128xi32, #tpu.memory_space<vmem>> -> memref<128xi32, #tpu.memory_space<vmem>>
      %dma_start3A_70 = arith.constant 0 : i32
      %dma_start3A_71 = arith.constant 0 : i32
      %dma_start3A_72 = tpu.memref_slice %arg16[%dma_start3A_70, %dma_start3A_71] : memref<10240x64xf32, #tpu.memory_space<vmem_shared>> -> memref<10240x64xf32, #tpu.memory_space<vmem_shared>>
      tpu.enqueue_indirect_dma source(%arg10 : memref<128x64xf32, #tpu.memory_space<vmem>>) target(%dma_start3A_72 : memref<10240x64xf32, #tpu.memory_space<vmem_shared>>) offsets(%dma_start3A_69 : memref<128xi32, #tpu.memory_space<vmem>>) semaphore(%arg23 : memref<!tpu.dma_semaphore, #tpu.memory_space<semaphore_mem>>) {add = true}
      %ge3A = arith.constant 2 : i32
      %ge3A_73 = arith.cmpi sge, %add3A_60, %ge3A : i32
      %convert_element_type3A_74 = arith.extui %ge3A_73 : i1 to i32
      %cond3A_75 = arith.constant 0 : i32
      %cond3A_76 = arith.cmpi ne, %convert_element_type3A_74, %cond3A_75 : i32
      scf.if %cond3A_76 {
        %dma_wait3A_224 = arith.constant 0 : i32
        %dma_wait3A_225 = arith.constant 0 : i32
        %dma_wait3A_226 = tpu.memref_slice %arg7[%dma_wait3A_224, %dma_wait3A_225] : memref<78x128xi32, #tpu.memory_space<vmem>> -> memref<1x128xi32, #tpu.memory_space<vmem>>
        %dma_wait3A_227 = tpu.memref_squeeze %dma_wait3A_226 : memref<1x128xi32, #tpu.memory_space<vmem>> -> memref<128xi32, #tpu.memory_space<vmem>>
        %dma_wait3A_228 = arith.constant 0 : i32
        %dma_wait3A_229 = arith.constant 0 : i32
        %dma_wait3A_230 = tpu.memref_slice %arg16[%dma_wait3A_228, %dma_wait3A_229] : memref<10240x64xf32, #tpu.memory_space<vmem_shared>> -> memref<10240x64xf32, #tpu.memory_space<vmem_shared>>
        tpu.wait_indirect_dma semaphore(%arg27 : memref<!tpu.dma_semaphore, #tpu.memory_space<semaphore_mem>>) src(%arg14 : memref<128x64xf32, #tpu.memory_space<vmem>>) dst(%dma_wait3A_230 : memref<10240x64xf32, #tpu.memory_space<vmem_shared>>)
      } else {
      }
      %add3A_77 = arith.constant 4 : i32
      %add3A_78 = arith.addi %add3A_60, %add3A_77 : i32
      %lt3A_79 = arith.constant 78 : i32
      %lt3A_80 = arith.cmpi slt, %add3A_78, %lt3A_79 : i32
      %convert_element_type3A_81 = arith.extui %lt3A_80 : i1 to i32
      %cond3A_82 = arith.constant 0 : i32
      %cond3A_83 = arith.cmpi ne, %convert_element_type3A_81, %cond3A_82 : i32
      scf.if %cond3A_83 {
        %add3A_224 = arith.constant 4 : i32
        %add3A_225 = arith.addi %add3A_60, %add3A_224 : i32
        %dma_start3A_226 = arith.constant 0 : i32
        %dma_start3A_227 = tpu.memref_slice %arg6[%add3A_225, %dma_start3A_226] : memref<78x128xi32, #tpu.memory_space<vmem>> -> memref<1x128xi32, #tpu.memory_space<vmem>>
        %dma_start3A_228 = tpu.memref_squeeze %dma_start3A_227 : memref<1x128xi32, #tpu.memory_space<vmem>> -> memref<128xi32, #tpu.memory_space<vmem>>
        %dma_start3A_229 = arith.constant 0 : i32
        %dma_start3A_230 = arith.constant 0 : i32
        %dma_start3A_231 = tpu.memref_slice %arg2[%dma_start3A_229, %dma_start3A_230] : memref<10000x64xf32, #tpu.memory_space<hbm>> -> memref<10000x64xf32, #tpu.memory_space<hbm>>
        tpu.enqueue_indirect_dma source(%dma_start3A_231 : memref<10000x64xf32, #tpu.memory_space<hbm>>) target(%arg14 : memref<128x64xf32, #tpu.memory_space<vmem>>) offsets(%dma_start3A_228 : memref<128xi32, #tpu.memory_space<vmem>>) semaphore(%arg21 : memref<!tpu.dma_semaphore, #tpu.memory_space<semaphore_mem>>)
      } else {
      }
      %mul3A_84 = arith.constant 6 : i32
      %mul3A_85 = arith.muli %mul3A_84, %scan3A_56 : i32
      %add3A_86 = arith.constant 1 : i32
      %add3A_87 = arith.addi %mul3A_85, %add3A_86 : i32
      %dma_wait3A_88 = arith.constant 0 : i32
      %dma_wait3A_89 = tpu.memref_slice %arg6[%add3A_87, %dma_wait3A_88] : memref<78x128xi32, #tpu.memory_space<vmem>> -> memref<1x128xi32, #tpu.memory_space<vmem>>
      %dma_wait3A_90 = tpu.memref_squeeze %dma_wait3A_89 : memref<1x128xi32, #tpu.memory_space<vmem>> -> memref<128xi32, #tpu.memory_space<vmem>>
      %dma_wait3A_91 = arith.constant 0 : i32
      %dma_wait3A_92 = arith.constant 0 : i32
      %dma_wait3A_93 = tpu.memref_slice %arg2[%dma_wait3A_91, %dma_wait3A_92] : memref<10000x64xf32, #tpu.memory_space<hbm>> -> memref<10000x64xf32, #tpu.memory_space<hbm>>
      tpu.wait_indirect_dma semaphore(%arg18 : memref<!tpu.dma_semaphore, #tpu.memory_space<semaphore_mem>>) src(%dma_wait3A_93 : memref<10000x64xf32, #tpu.memory_space<hbm>>) dst(%arg11 : memref<128x64xf32, #tpu.memory_space<vmem>>)
      %dma_start3A_94 = arith.constant 0 : i32
      %dma_start3A_95 = tpu.memref_slice %arg7[%add3A_87, %dma_start3A_94] : memref<78x128xi32, #tpu.memory_space<vmem>> -> memref<1x128xi32, #tpu.memory_space<vmem>>
      %dma_start3A_96 = tpu.memref_squeeze %dma_start3A_95 : memref<1x128xi32, #tpu.memory_space<vmem>> -> memref<128xi32, #tpu.memory_space<vmem>>
      %dma_start3A_97 = arith.constant 0 : i32
      %dma_start3A_98 = arith.constant 0 : i32
      %dma_start3A_99 = tpu.memref_slice %arg16[%dma_start3A_97, %dma_start3A_98] : memref<10240x64xf32, #tpu.memory_space<vmem_shared>> -> memref<10240x64xf32, #tpu.memory_space<vmem_shared>>
      tpu.enqueue_indirect_dma source(%arg11 : memref<128x64xf32, #tpu.memory_space<vmem>>) target(%dma_start3A_99 : memref<10240x64xf32, #tpu.memory_space<vmem_shared>>) offsets(%dma_start3A_96 : memref<128xi32, #tpu.memory_space<vmem>>) semaphore(%arg24 : memref<!tpu.dma_semaphore, #tpu.memory_space<semaphore_mem>>) {add = true}
      %ge3A_100 = arith.constant 2 : i32
      %ge3A_101 = arith.cmpi sge, %add3A_87, %ge3A_100 : i32
      %convert_element_type3A_102 = arith.extui %ge3A_101 : i1 to i32
      %cond3A_103 = arith.constant 0 : i32
      %cond3A_104 = arith.cmpi ne, %convert_element_type3A_102, %cond3A_103 : i32
      scf.if %cond3A_104 {
        %dma_wait3A_224 = arith.constant 0 : i32
        %dma_wait3A_225 = arith.constant 0 : i32
        %dma_wait3A_226 = tpu.memref_slice %arg7[%dma_wait3A_224, %dma_wait3A_225] : memref<78x128xi32, #tpu.memory_space<vmem>> -> memref<1x128xi32, #tpu.memory_space<vmem>>
        %dma_wait3A_227 = tpu.memref_squeeze %dma_wait3A_226 : memref<1x128xi32, #tpu.memory_space<vmem>> -> memref<128xi32, #tpu.memory_space<vmem>>
        %dma_wait3A_228 = arith.constant 0 : i32
        %dma_wait3A_229 = arith.constant 0 : i32
        %dma_wait3A_230 = tpu.memref_slice %arg16[%dma_wait3A_228, %dma_wait3A_229] : memref<10240x64xf32, #tpu.memory_space<vmem_shared>> -> memref<10240x64xf32, #tpu.memory_space<vmem_shared>>
        tpu.wait_indirect_dma semaphore(%arg28 : memref<!tpu.dma_semaphore, #tpu.memory_space<semaphore_mem>>) src(%arg15 : memref<128x64xf32, #tpu.memory_space<vmem>>) dst(%dma_wait3A_230 : memref<10240x64xf32, #tpu.memory_space<vmem_shared>>)
      } else {
      }
      %add3A_105 = arith.constant 4 : i32
      %add3A_106 = arith.addi %add3A_87, %add3A_105 : i32
      %lt3A_107 = arith.constant 78 : i32
      %lt3A_108 = arith.cmpi slt, %add3A_106, %lt3A_107 : i32
      %convert_element_type3A_109 = arith.extui %lt3A_108 : i1 to i32
      %cond3A_110 = arith.constant 0 : i32
      %cond3A_111 = arith.cmpi ne, %convert_element_type3A_109, %cond3A_110 : i32
      scf.if %cond3A_111 {
        %add3A_224 = arith.constant 4 : i32
        %add3A_225 = arith.addi %add3A_87, %add3A_224 : i32
        %dma_start3A_226 = arith.constant 0 : i32
        %dma_start3A_227 = tpu.memref_slice %arg6[%add3A_225, %dma_start3A_226] : memref<78x128xi32, #tpu.memory_space<vmem>> -> memref<1x128xi32, #tpu.memory_space<vmem>>
        %dma_start3A_228 = tpu.memref_squeeze %dma_start3A_227 : memref<1x128xi32, #tpu.memory_space<vmem>> -> memref<128xi32, #tpu.memory_space<vmem>>
        %dma_start3A_229 = arith.constant 0 : i32
        %dma_start3A_230 = arith.constant 0 : i32
        %dma_start3A_231 = tpu.memref_slice %arg2[%dma_start3A_229, %dma_start3A_230] : memref<10000x64xf32, #tpu.memory_space<hbm>> -> memref<10000x64xf32, #tpu.memory_space<hbm>>
        tpu.enqueue_indirect_dma source(%dma_start3A_231 : memref<10000x64xf32, #tpu.memory_space<hbm>>) target(%arg15 : memref<128x64xf32, #tpu.memory_space<vmem>>) offsets(%dma_start3A_228 : memref<128xi32, #tpu.memory_space<vmem>>) semaphore(%arg22 : memref<!tpu.dma_semaphore, #tpu.memory_space<semaphore_mem>>)
      } else {
      }
      %mul3A_112 = arith.constant 6 : i32
      %mul3A_113 = arith.muli %mul3A_112, %scan3A_56 : i32
      %add3A_114 = arith.constant 2 : i32
      %add3A_115 = arith.addi %mul3A_113, %add3A_114 : i32
      %dma_wait3A_116 = arith.constant 0 : i32
      %dma_wait3A_117 = tpu.memref_slice %arg6[%add3A_115, %dma_wait3A_116] : memref<78x128xi32, #tpu.memory_space<vmem>> -> memref<1x128xi32, #tpu.memory_space<vmem>>
      %dma_wait3A_118 = tpu.memref_squeeze %dma_wait3A_117 : memref<1x128xi32, #tpu.memory_space<vmem>> -> memref<128xi32, #tpu.memory_space<vmem>>
      %dma_wait3A_119 = arith.constant 0 : i32
      %dma_wait3A_120 = arith.constant 0 : i32
      %dma_wait3A_121 = tpu.memref_slice %arg2[%dma_wait3A_119, %dma_wait3A_120] : memref<10000x64xf32, #tpu.memory_space<hbm>> -> memref<10000x64xf32, #tpu.memory_space<hbm>>
      tpu.wait_indirect_dma semaphore(%arg19 : memref<!tpu.dma_semaphore, #tpu.memory_space<semaphore_mem>>) src(%dma_wait3A_121 : memref<10000x64xf32, #tpu.memory_space<hbm>>) dst(%arg12 : memref<128x64xf32, #tpu.memory_space<vmem>>)
      %dma_start3A_122 = arith.constant 0 : i32
      %dma_start3A_123 = tpu.memref_slice %arg7[%add3A_115, %dma_start3A_122] : memref<78x128xi32, #tpu.memory_space<vmem>> -> memref<1x128xi32, #tpu.memory_space<vmem>>
      %dma_start3A_124 = tpu.memref_squeeze %dma_start3A_123 : memref<1x128xi32, #tpu.memory_space<vmem>> -> memref<128xi32, #tpu.memory_space<vmem>>
      %dma_start3A_125 = arith.constant 0 : i32
      %dma_start3A_126 = arith.constant 0 : i32
      %dma_start3A_127 = tpu.memref_slice %arg16[%dma_start3A_125, %dma_start3A_126] : memref<10240x64xf32, #tpu.memory_space<vmem_shared>> -> memref<10240x64xf32, #tpu.memory_space<vmem_shared>>
      tpu.enqueue_indirect_dma source(%arg12 : memref<128x64xf32, #tpu.memory_space<vmem>>) target(%dma_start3A_127 : memref<10240x64xf32, #tpu.memory_space<vmem_shared>>) offsets(%dma_start3A_124 : memref<128xi32, #tpu.memory_space<vmem>>) semaphore(%arg25 : memref<!tpu.dma_semaphore, #tpu.memory_space<semaphore_mem>>) {add = true}
      %ge3A_128 = arith.constant 2 : i32
      %ge3A_129 = arith.cmpi sge, %add3A_115, %ge3A_128 : i32
      %convert_element_type3A_130 = arith.extui %ge3A_129 : i1 to i32
      %cond3A_131 = arith.constant 0 : i32
      %cond3A_132 = arith.cmpi ne, %convert_element_type3A_130, %cond3A_131 : i32
      scf.if %cond3A_132 {
        %dma_wait3A_224 = arith.constant 0 : i32
        %dma_wait3A_225 = arith.constant 0 : i32
        %dma_wait3A_226 = tpu.memref_slice %arg7[%dma_wait3A_224, %dma_wait3A_225] : memref<78x128xi32, #tpu.memory_space<vmem>> -> memref<1x128xi32, #tpu.memory_space<vmem>>
        %dma_wait3A_227 = tpu.memref_squeeze %dma_wait3A_226 : memref<1x128xi32, #tpu.memory_space<vmem>> -> memref<128xi32, #tpu.memory_space<vmem>>
        %dma_wait3A_228 = arith.constant 0 : i32
        %dma_wait3A_229 = arith.constant 0 : i32
        %dma_wait3A_230 = tpu.memref_slice %arg16[%dma_wait3A_228, %dma_wait3A_229] : memref<10240x64xf32, #tpu.memory_space<vmem_shared>> -> memref<10240x64xf32, #tpu.memory_space<vmem_shared>>
        tpu.wait_indirect_dma semaphore(%arg23 : memref<!tpu.dma_semaphore, #tpu.memory_space<semaphore_mem>>) src(%arg10 : memref<128x64xf32, #tpu.memory_space<vmem>>) dst(%dma_wait3A_230 : memref<10240x64xf32, #tpu.memory_space<vmem_shared>>)
      } else {
      }
      %add3A_133 = arith.constant 4 : i32
      %add3A_134 = arith.addi %add3A_115, %add3A_133 : i32
      %lt3A_135 = arith.constant 78 : i32
      %lt3A_136 = arith.cmpi slt, %add3A_134, %lt3A_135 : i32
      %convert_element_type3A_137 = arith.extui %lt3A_136 : i1 to i32
      %cond3A_138 = arith.constant 0 : i32
      %cond3A_139 = arith.cmpi ne, %convert_element_type3A_137, %cond3A_138 : i32
      scf.if %cond3A_139 {
        %add3A_224 = arith.constant 4 : i32
        %add3A_225 = arith.addi %add3A_115, %add3A_224 : i32
        %dma_start3A_226 = arith.constant 0 : i32
        %dma_start3A_227 = tpu.memref_slice %arg6[%add3A_225, %dma_start3A_226] : memref<78x128xi32, #tpu.memory_space<vmem>> -> memref<1x128xi32, #tpu.memory_space<vmem>>
        %dma_start3A_228 = tpu.memref_squeeze %dma_start3A_227 : memref<1x128xi32, #tpu.memory_space<vmem>> -> memref<128xi32, #tpu.memory_space<vmem>>
        %dma_start3A_229 = arith.constant 0 : i32
        %dma_start3A_230 = arith.constant 0 : i32
        %dma_start3A_231 = tpu.memref_slice %arg2[%dma_start3A_229, %dma_start3A_230] : memref<10000x64xf32, #tpu.memory_space<hbm>> -> memref<10000x64xf32, #tpu.memory_space<hbm>>
        tpu.enqueue_indirect_dma source(%dma_start3A_231 : memref<10000x64xf32, #tpu.memory_space<hbm>>) target(%arg10 : memref<128x64xf32, #tpu.memory_space<vmem>>) offsets(%dma_start3A_228 : memref<128xi32, #tpu.memory_space<vmem>>) semaphore(%arg17 : memref<!tpu.dma_semaphore, #tpu.memory_space<semaphore_mem>>)
      } else {
      }
      %mul3A_140 = arith.constant 6 : i32
      %mul3A_141 = arith.muli %mul3A_140, %scan3A_56 : i32
      %add3A_142 = arith.constant 3 : i32
      %add3A_143 = arith.addi %mul3A_141, %add3A_142 : i32
      %dma_wait3A_144 = arith.constant 0 : i32
      %dma_wait3A_145 = tpu.memref_slice %arg6[%add3A_143, %dma_wait3A_144] : memref<78x128xi32, #tpu.memory_space<vmem>> -> memref<1x128xi32, #tpu.memory_space<vmem>>
      %dma_wait3A_146 = tpu.memref_squeeze %dma_wait3A_145 : memref<1x128xi32, #tpu.memory_space<vmem>> -> memref<128xi32, #tpu.memory_space<vmem>>
      %dma_wait3A_147 = arith.constant 0 : i32
      %dma_wait3A_148 = arith.constant 0 : i32
      %dma_wait3A_149 = tpu.memref_slice %arg2[%dma_wait3A_147, %dma_wait3A_148] : memref<10000x64xf32, #tpu.memory_space<hbm>> -> memref<10000x64xf32, #tpu.memory_space<hbm>>
      tpu.wait_indirect_dma semaphore(%arg20 : memref<!tpu.dma_semaphore, #tpu.memory_space<semaphore_mem>>) src(%dma_wait3A_149 : memref<10000x64xf32, #tpu.memory_space<hbm>>) dst(%arg13 : memref<128x64xf32, #tpu.memory_space<vmem>>)
      %dma_start3A_150 = arith.constant 0 : i32
      %dma_start3A_151 = tpu.memref_slice %arg7[%add3A_143, %dma_start3A_150] : memref<78x128xi32, #tpu.memory_space<vmem>> -> memref<1x128xi32, #tpu.memory_space<vmem>>
      %dma_start3A_152 = tpu.memref_squeeze %dma_start3A_151 : memref<1x128xi32, #tpu.memory_space<vmem>> -> memref<128xi32, #tpu.memory_space<vmem>>
      %dma_start3A_153 = arith.constant 0 : i32
      %dma_start3A_154 = arith.constant 0 : i32
      %dma_start3A_155 = tpu.memref_slice %arg16[%dma_start3A_153, %dma_start3A_154] : memref<10240x64xf32, #tpu.memory_space<vmem_shared>> -> memref<10240x64xf32, #tpu.memory_space<vmem_shared>>
      tpu.enqueue_indirect_dma source(%arg13 : memref<128x64xf32, #tpu.memory_space<vmem>>) target(%dma_start3A_155 : memref<10240x64xf32, #tpu.memory_space<vmem_shared>>) offsets(%dma_start3A_152 : memref<128xi32, #tpu.memory_space<vmem>>) semaphore(%arg26 : memref<!tpu.dma_semaphore, #tpu.memory_space<semaphore_mem>>) {add = true}
      %ge3A_156 = arith.constant 2 : i32
      %ge3A_157 = arith.cmpi sge, %add3A_143, %ge3A_156 : i32
      %convert_element_type3A_158 = arith.extui %ge3A_157 : i1 to i32
      %cond3A_159 = arith.constant 0 : i32
      %cond3A_160 = arith.cmpi ne, %convert_element_type3A_158, %cond3A_159 : i32
      scf.if %cond3A_160 {
        %dma_wait3A_224 = arith.constant 0 : i32
        %dma_wait3A_225 = arith.constant 0 : i32
        %dma_wait3A_226 = tpu.memref_slice %arg7[%dma_wait3A_224, %dma_wait3A_225] : memref<78x128xi32, #tpu.memory_space<vmem>> -> memref<1x128xi32, #tpu.memory_space<vmem>>
        %dma_wait3A_227 = tpu.memref_squeeze %dma_wait3A_226 : memref<1x128xi32, #tpu.memory_space<vmem>> -> memref<128xi32, #tpu.memory_space<vmem>>
        %dma_wait3A_228 = arith.constant 0 : i32
        %dma_wait3A_229 = arith.constant 0 : i32
        %dma_wait3A_230 = tpu.memref_slice %arg16[%dma_wait3A_228, %dma_wait3A_229] : memref<10240x64xf32, #tpu.memory_space<vmem_shared>> -> memref<10240x64xf32, #tpu.memory_space<vmem_shared>>
        tpu.wait_indirect_dma semaphore(%arg24 : memref<!tpu.dma_semaphore, #tpu.memory_space<semaphore_mem>>) src(%arg11 : memref<128x64xf32, #tpu.memory_space<vmem>>) dst(%dma_wait3A_230 : memref<10240x64xf32, #tpu.memory_space<vmem_shared>>)
      } else {
      }
      %add3A_161 = arith.constant 4 : i32
      %add3A_162 = arith.addi %add3A_143, %add3A_161 : i32
      %lt3A_163 = arith.constant 78 : i32
      %lt3A_164 = arith.cmpi slt, %add3A_162, %lt3A_163 : i32
      %convert_element_type3A_165 = arith.extui %lt3A_164 : i1 to i32
      %cond3A_166 = arith.constant 0 : i32
      %cond3A_167 = arith.cmpi ne, %convert_element_type3A_165, %cond3A_166 : i32
      scf.if %cond3A_167 {
        %add3A_224 = arith.constant 4 : i32
        %add3A_225 = arith.addi %add3A_143, %add3A_224 : i32
        %dma_start3A_226 = arith.constant 0 : i32
        %dma_start3A_227 = tpu.memref_slice %arg6[%add3A_225, %dma_start3A_226] : memref<78x128xi32, #tpu.memory_space<vmem>> -> memref<1x128xi32, #tpu.memory_space<vmem>>
        %dma_start3A_228 = tpu.memref_squeeze %dma_start3A_227 : memref<1x128xi32, #tpu.memory_space<vmem>> -> memref<128xi32, #tpu.memory_space<vmem>>
        %dma_start3A_229 = arith.constant 0 : i32
        %dma_start3A_230 = arith.constant 0 : i32
        %dma_start3A_231 = tpu.memref_slice %arg2[%dma_start3A_229, %dma_start3A_230] : memref<10000x64xf32, #tpu.memory_space<hbm>> -> memref<10000x64xf32, #tpu.memory_space<hbm>>
        tpu.enqueue_indirect_dma source(%dma_start3A_231 : memref<10000x64xf32, #tpu.memory_space<hbm>>) target(%arg11 : memref<128x64xf32, #tpu.memory_space<vmem>>) offsets(%dma_start3A_228 : memref<128xi32, #tpu.memory_space<vmem>>) semaphore(%arg18 : memref<!tpu.dma_semaphore, #tpu.memory_space<semaphore_mem>>)
      } else {
      }
      %mul3A_168 = arith.constant 6 : i32
      %mul3A_169 = arith.muli %mul3A_168, %scan3A_56 : i32
      %add3A_170 = arith.constant 4 : i32
      %add3A_171 = arith.addi %mul3A_169, %add3A_170 : i32
      %dma_wait3A_172 = arith.constant 0 : i32
      %dma_wait3A_173 = tpu.memref_slice %arg6[%add3A_171, %dma_wait3A_172] : memref<78x128xi32, #tpu.memory_space<vmem>> -> memref<1x128xi32, #tpu.memory_space<vmem>>
      %dma_wait3A_174 = tpu.memref_squeeze %dma_wait3A_173 : memref<1x128xi32, #tpu.memory_space<vmem>> -> memref<128xi32, #tpu.memory_space<vmem>>
      %dma_wait3A_175 = arith.constant 0 : i32
      %dma_wait3A_176 = arith.constant 0 : i32
      %dma_wait3A_177 = tpu.memref_slice %arg2[%dma_wait3A_175, %dma_wait3A_176] : memref<10000x64xf32, #tpu.memory_space<hbm>> -> memref<10000x64xf32, #tpu.memory_space<hbm>>
      tpu.wait_indirect_dma semaphore(%arg21 : memref<!tpu.dma_semaphore, #tpu.memory_space<semaphore_mem>>) src(%dma_wait3A_177 : memref<10000x64xf32, #tpu.memory_space<hbm>>) dst(%arg14 : memref<128x64xf32, #tpu.memory_space<vmem>>)
      %dma_start3A_178 = arith.constant 0 : i32
      %dma_start3A_179 = tpu.memref_slice %arg7[%add3A_171, %dma_start3A_178] : memref<78x128xi32, #tpu.memory_space<vmem>> -> memref<1x128xi32, #tpu.memory_space<vmem>>
      %dma_start3A_180 = tpu.memref_squeeze %dma_start3A_179 : memref<1x128xi32, #tpu.memory_space<vmem>> -> memref<128xi32, #tpu.memory_space<vmem>>
      %dma_start3A_181 = arith.constant 0 : i32
      %dma_start3A_182 = arith.constant 0 : i32
      %dma_start3A_183 = tpu.memref_slice %arg16[%dma_start3A_181, %dma_start3A_182] : memref<10240x64xf32, #tpu.memory_space<vmem_shared>> -> memref<10240x64xf32, #tpu.memory_space<vmem_shared>>
      tpu.enqueue_indirect_dma source(%arg14 : memref<128x64xf32, #tpu.memory_space<vmem>>) target(%dma_start3A_183 : memref<10240x64xf32, #tpu.memory_space<vmem_shared>>) offsets(%dma_start3A_180 : memref<128xi32, #tpu.memory_space<vmem>>) semaphore(%arg27 : memref<!tpu.dma_semaphore, #tpu.memory_space<semaphore_mem>>) {add = true}
      %ge3A_184 = arith.constant 2 : i32
      %ge3A_185 = arith.cmpi sge, %add3A_171, %ge3A_184 : i32
      %convert_element_type3A_186 = arith.extui %ge3A_185 : i1 to i32
      %cond3A_187 = arith.constant 0 : i32
      %cond3A_188 = arith.cmpi ne, %convert_element_type3A_186, %cond3A_187 : i32
      scf.if %cond3A_188 {
        %dma_wait3A_224 = arith.constant 0 : i32
        %dma_wait3A_225 = arith.constant 0 : i32
        %dma_wait3A_226 = tpu.memref_slice %arg7[%dma_wait3A_224, %dma_wait3A_225] : memref<78x128xi32, #tpu.memory_space<vmem>> -> memref<1x128xi32, #tpu.memory_space<vmem>>
        %dma_wait3A_227 = tpu.memref_squeeze %dma_wait3A_226 : memref<1x128xi32, #tpu.memory_space<vmem>> -> memref<128xi32, #tpu.memory_space<vmem>>
        %dma_wait3A_228 = arith.constant 0 : i32
        %dma_wait3A_229 = arith.constant 0 : i32
        %dma_wait3A_230 = tpu.memref_slice %arg16[%dma_wait3A_228, %dma_wait3A_229] : memref<10240x64xf32, #tpu.memory_space<vmem_shared>> -> memref<10240x64xf32, #tpu.memory_space<vmem_shared>>
        tpu.wait_indirect_dma semaphore(%arg25 : memref<!tpu.dma_semaphore, #tpu.memory_space<semaphore_mem>>) src(%arg12 : memref<128x64xf32, #tpu.memory_space<vmem>>) dst(%dma_wait3A_230 : memref<10240x64xf32, #tpu.memory_space<vmem_shared>>)
      } else {
      }
      %add3A_189 = arith.constant 4 : i32
      %add3A_190 = arith.addi %add3A_171, %add3A_189 : i32
      %lt3A_191 = arith.constant 78 : i32
      %lt3A_192 = arith.cmpi slt, %add3A_190, %lt3A_191 : i32
      %convert_element_type3A_193 = arith.extui %lt3A_192 : i1 to i32
      %cond3A_194 = arith.constant 0 : i32
      %cond3A_195 = arith.cmpi ne, %convert_element_type3A_193, %cond3A_194 : i32
      scf.if %cond3A_195 {
        %add3A_224 = arith.constant 4 : i32
        %add3A_225 = arith.addi %add3A_171, %add3A_224 : i32
        %dma_start3A_226 = arith.constant 0 : i32
        %dma_start3A_227 = tpu.memref_slice %arg6[%add3A_225, %dma_start3A_226] : memref<78x128xi32, #tpu.memory_space<vmem>> -> memref<1x128xi32, #tpu.memory_space<vmem>>
        %dma_start3A_228 = tpu.memref_squeeze %dma_start3A_227 : memref<1x128xi32, #tpu.memory_space<vmem>> -> memref<128xi32, #tpu.memory_space<vmem>>
        %dma_start3A_229 = arith.constant 0 : i32
        %dma_start3A_230 = arith.constant 0 : i32
        %dma_start3A_231 = tpu.memref_slice %arg2[%dma_start3A_229, %dma_start3A_230] : memref<10000x64xf32, #tpu.memory_space<hbm>> -> memref<10000x64xf32, #tpu.memory_space<hbm>>
        tpu.enqueue_indirect_dma source(%dma_start3A_231 : memref<10000x64xf32, #tpu.memory_space<hbm>>) target(%arg12 : memref<128x64xf32, #tpu.memory_space<vmem>>) offsets(%dma_start3A_228 : memref<128xi32, #tpu.memory_space<vmem>>) semaphore(%arg19 : memref<!tpu.dma_semaphore, #tpu.memory_space<semaphore_mem>>)
      } else {
      }
      %mul3A_196 = arith.constant 6 : i32
      %mul3A_197 = arith.muli %mul3A_196, %scan3A_56 : i32
      %add3A_198 = arith.constant 5 : i32
      %add3A_199 = arith.addi %mul3A_197, %add3A_198 : i32
      %dma_wait3A_200 = arith.constant 0 : i32
      %dma_wait3A_201 = tpu.memref_slice %arg6[%add3A_199, %dma_wait3A_200] : memref<78x128xi32, #tpu.memory_space<vmem>> -> memref<1x128xi32, #tpu.memory_space<vmem>>
      %dma_wait3A_202 = tpu.memref_squeeze %dma_wait3A_201 : memref<1x128xi32, #tpu.memory_space<vmem>> -> memref<128xi32, #tpu.memory_space<vmem>>
      %dma_wait3A_203 = arith.constant 0 : i32
      %dma_wait3A_204 = arith.constant 0 : i32
      %dma_wait3A_205 = tpu.memref_slice %arg2[%dma_wait3A_203, %dma_wait3A_204] : memref<10000x64xf32, #tpu.memory_space<hbm>> -> memref<10000x64xf32, #tpu.memory_space<hbm>>
      tpu.wait_indirect_dma semaphore(%arg22 : memref<!tpu.dma_semaphore, #tpu.memory_space<semaphore_mem>>) src(%dma_wait3A_205 : memref<10000x64xf32, #tpu.memory_space<hbm>>) dst(%arg15 : memref<128x64xf32, #tpu.memory_space<vmem>>)
      %dma_start3A_206 = arith.constant 0 : i32
      %dma_start3A_207 = tpu.memref_slice %arg7[%add3A_199, %dma_start3A_206] : memref<78x128xi32, #tpu.memory_space<vmem>> -> memref<1x128xi32, #tpu.memory_space<vmem>>
      %dma_start3A_208 = tpu.memref_squeeze %dma_start3A_207 : memref<1x128xi32, #tpu.memory_space<vmem>> -> memref<128xi32, #tpu.memory_space<vmem>>
      %dma_start3A_209 = arith.constant 0 : i32
      %dma_start3A_210 = arith.constant 0 : i32
      %dma_start3A_211 = tpu.memref_slice %arg16[%dma_start3A_209, %dma_start3A_210] : memref<10240x64xf32, #tpu.memory_space<vmem_shared>> -> memref<10240x64xf32, #tpu.memory_space<vmem_shared>>
      tpu.enqueue_indirect_dma source(%arg15 : memref<128x64xf32, #tpu.memory_space<vmem>>) target(%dma_start3A_211 : memref<10240x64xf32, #tpu.memory_space<vmem_shared>>) offsets(%dma_start3A_208 : memref<128xi32, #tpu.memory_space<vmem>>) semaphore(%arg28 : memref<!tpu.dma_semaphore, #tpu.memory_space<semaphore_mem>>) {add = true}
      %ge3A_212 = arith.constant 2 : i32
      %ge3A_213 = arith.cmpi sge, %add3A_199, %ge3A_212 : i32
      %convert_element_type3A_214 = arith.extui %ge3A_213 : i1 to i32
      %cond3A_215 = arith.constant 0 : i32
      %cond3A_216 = arith.cmpi ne, %convert_element_type3A_214, %cond3A_215 : i32
      scf.if %cond3A_216 {
        %dma_wait3A_224 = arith.constant 0 : i32
        %dma_wait3A_225 = arith.constant 0 : i32
        %dma_wait3A_226 = tpu.memref_slice %arg7[%dma_wait3A_224, %dma_wait3A_225] : memref<78x128xi32, #tpu.memory_space<vmem>> -> memref<1x128xi32, #tpu.memory_space<vmem>>
        %dma_wait3A_227 = tpu.memref_squeeze %dma_wait3A_226 : memref<1x128xi32, #tpu.memory_space<vmem>> -> memref<128xi32, #tpu.memory_space<vmem>>
        %dma_wait3A_228 = arith.constant 0 : i32
        %dma_wait3A_229 = arith.constant 0 : i32
        %dma_wait3A_230 = tpu.memref_slice %arg16[%dma_wait3A_228, %dma_wait3A_229] : memref<10240x64xf32, #tpu.memory_space<vmem_shared>> -> memref<10240x64xf32, #tpu.memory_space<vmem_shared>>
        tpu.wait_indirect_dma semaphore(%arg26 : memref<!tpu.dma_semaphore, #tpu.memory_space<semaphore_mem>>) src(%arg13 : memref<128x64xf32, #tpu.memory_space<vmem>>) dst(%dma_wait3A_230 : memref<10240x64xf32, #tpu.memory_space<vmem_shared>>)
      } else {
      }
      %add3A_217 = arith.constant 4 : i32
      %add3A_218 = arith.addi %add3A_199, %add3A_217 : i32
      %lt3A_219 = arith.constant 78 : i32
      %lt3A_220 = arith.cmpi slt, %add3A_218, %lt3A_219 : i32
      %convert_element_type3A_221 = arith.extui %lt3A_220 : i1 to i32
      %cond3A_222 = arith.constant 0 : i32
      %cond3A_223 = arith.cmpi ne, %convert_element_type3A_221, %cond3A_222 : i32
      scf.if %cond3A_223 {
        %add3A_224 = arith.constant 4 : i32
        %add3A_225 = arith.addi %add3A_199, %add3A_224 : i32
        %dma_start3A_226 = arith.constant 0 : i32
        %dma_start3A_227 = tpu.memref_slice %arg6[%add3A_225, %dma_start3A_226] : memref<78x128xi32, #tpu.memory_space<vmem>> -> memref<1x128xi32, #tpu.memory_space<vmem>>
        %dma_start3A_228 = tpu.memref_squeeze %dma_start3A_227 : memref<1x128xi32, #tpu.memory_space<vmem>> -> memref<128xi32, #tpu.memory_space<vmem>>
        %dma_start3A_229 = arith.constant 0 : i32
        %dma_start3A_230 = arith.constant 0 : i32
        %dma_start3A_231 = tpu.memref_slice %arg2[%dma_start3A_229, %dma_start3A_230] : memref<10000x64xf32, #tpu.memory_space<hbm>> -> memref<10000x64xf32, #tpu.memory_space<hbm>>
        tpu.enqueue_indirect_dma source(%dma_start3A_231 : memref<10000x64xf32, #tpu.memory_space<hbm>>) target(%arg13 : memref<128x64xf32, #tpu.memory_space<vmem>>) offsets(%dma_start3A_228 : memref<128xi32, #tpu.memory_space<vmem>>) semaphore(%arg20 : memref<!tpu.dma_semaphore, #tpu.memory_space<semaphore_mem>>)
      } else {
      }
    }
    %scan3A_39 = arith.constant 13 : i32
    %dma_wait3A = arith.constant 0 : i32
    %dma_wait3A_40 = arith.constant 0 : i32
    %dma_wait3A_41 = tpu.memref_slice %arg7[%dma_wait3A, %dma_wait3A_40] : memref<78x128xi32, #tpu.memory_space<vmem>> -> memref<1x128xi32, #tpu.memory_space<vmem>>
    %dma_wait3A_42 = tpu.memref_squeeze %dma_wait3A_41 : memref<1x128xi32, #tpu.memory_space<vmem>> -> memref<128xi32, #tpu.memory_space<vmem>>
    %dma_wait3A_43 = arith.constant 0 : i32
    %dma_wait3A_44 = arith.constant 0 : i32
    %dma_wait3A_45 = tpu.memref_slice %arg16[%dma_wait3A_43, %dma_wait3A_44] : memref<10240x64xf32, #tpu.memory_space<vmem_shared>> -> memref<10240x64xf32, #tpu.memory_space<vmem_shared>>
    tpu.wait_indirect_dma semaphore(%arg27 : memref<!tpu.dma_semaphore, #tpu.memory_space<semaphore_mem>>) src(%arg14 : memref<128x64xf32, #tpu.memory_space<vmem>>) dst(%dma_wait3A_45 : memref<10240x64xf32, #tpu.memory_space<vmem_shared>>)
    %dma_wait3A_46 = arith.constant 0 : i32
    %dma_wait3A_47 = arith.constant 0 : i32
    %dma_wait3A_48 = tpu.memref_slice %arg7[%dma_wait3A_46, %dma_wait3A_47] : memref<78x128xi32, #tpu.memory_space<vmem>> -> memref<1x128xi32, #tpu.memory_space<vmem>>
    %dma_wait3A_49 = tpu.memref_squeeze %dma_wait3A_48 : memref<1x128xi32, #tpu.memory_space<vmem>> -> memref<128xi32, #tpu.memory_space<vmem>>
    %dma_wait3A_50 = arith.constant 0 : i32
    %dma_wait3A_51 = arith.constant 0 : i32
    %dma_wait3A_52 = tpu.memref_slice %arg16[%dma_wait3A_50, %dma_wait3A_51] : memref<10240x64xf32, #tpu.memory_space<vmem_shared>> -> memref<10240x64xf32, #tpu.memory_space<vmem_shared>>
    tpu.wait_indirect_dma semaphore(%arg28 : memref<!tpu.dma_semaphore, #tpu.memory_space<semaphore_mem>>) src(%arg15 : memref<128x64xf32, #tpu.memory_space<vmem>>) dst(%dma_wait3A_52 : memref<10240x64xf32, #tpu.memory_space<vmem_shared>>)
    %lt3A = arith.constant 4 : i32
    %lt3A_53 = arith.cmpi slt, %add3A, %lt3A : i32
    %convert_element_type3A = arith.extui %lt3A_53 : i1 to i32
    %cond3A = arith.constant 0 : i32
    %cond3A_54 = arith.cmpi ne, %convert_element_type3A, %cond3A : i32
    scf.if %cond3A_54 {
      %add3A_56 = arith.constant 2496 : i32
      %add3A_57 = arith.addi %add3A_56, %add3A : i32
      %run_scoped3A_58 = arith.constant 0 : i32
      "tpu.region"() ({
        %run_scoped3A_75 = tpu.sem_alloc : memref<!tpu.dma_semaphore, #tpu.memory_space<semaphore_mem>>
        %dma_start3A_76 = arith.constant 0 : i32
        %dma_start3A_77 = tpu.memref_slice %arg3[%add3A_57, %run_scoped3A_58, %dma_start3A_76] : memref<2500x2x128xi32, #tpu.memory_space<hbm>> -> memref<1x1x128xi32, #tpu.memory_space<hbm>>
        %dma_start3A_78 = tpu.memref_squeeze %dma_start3A_77 : memref<1x1x128xi32, #tpu.memory_space<hbm>> -> memref<1x128xi32, #tpu.memory_space<hbm>>
        %dma_start3A_79 = arith.constant 0 : i32
        %dma_start3A_80 = tpu.memref_slice %arg3[%add3A_57, %run_scoped3A_58, %dma_start3A_79] : memref<2500x2x128xi32, #tpu.memory_space<hbm>> -> memref<1x1x128xi32, #tpu.memory_space<hbm>>
        %dma_start3A_81 = tpu.memref_squeeze %dma_start3A_80 : memref<1x1x128xi32, #tpu.memory_space<hbm>> -> memref<1x128xi32, #tpu.memory_space<hbm>>
        tpu.enqueue_dma source(%dma_start3A_81 : memref<1x128xi32, #tpu.memory_space<hbm>>) target(%arg8 : memref<1x128xi32, #tpu.memory_space<vmem>>) target_semaphore(%run_scoped3A_75 : memref<!tpu.dma_semaphore, #tpu.memory_space<semaphore_mem>>)
        %dma_wait3A_82 = arith.constant 0 : i32
        %dma_wait3A_83 = tpu.memref_slice %arg3[%add3A_57, %run_scoped3A_58, %dma_wait3A_82] : memref<2500x2x128xi32, #tpu.memory_space<hbm>> -> memref<1x1x128xi32, #tpu.memory_space<hbm>>
        %dma_wait3A_84 = tpu.memref_squeeze %dma_wait3A_83 : memref<1x1x128xi32, #tpu.memory_space<hbm>> -> memref<1x128xi32, #tpu.memory_space<hbm>>
        %dma_wait3A_85 = arith.constant 0 : i32
        %dma_wait3A_86 = tpu.memref_slice %arg3[%add3A_57, %run_scoped3A_58, %dma_wait3A_85] : memref<2500x2x128xi32, #tpu.memory_space<hbm>> -> memref<1x1x128xi32, #tpu.memory_space<hbm>>
        %dma_wait3A_87 = tpu.memref_squeeze %dma_wait3A_86 : memref<1x1x128xi32, #tpu.memory_space<hbm>> -> memref<1x128xi32, #tpu.memory_space<hbm>>
        tpu.wait_dma2 semaphore(%run_scoped3A_75 : memref<!tpu.dma_semaphore, #tpu.memory_space<semaphore_mem>>) src(%dma_wait3A_87 : memref<1x128xi32, #tpu.memory_space<hbm>>) dst(%arg8 : memref<1x128xi32, #tpu.memory_space<vmem>>)
        tpu.yield
      }) : () -> ()
      %run_scoped3A_59 = arith.constant 1 : i32
      "tpu.region"() ({
        %run_scoped3A_75 = tpu.sem_alloc : memref<!tpu.dma_semaphore, #tpu.memory_space<semaphore_mem>>
        %dma_start3A_76 = arith.constant 0 : i32
        %dma_start3A_77 = tpu.memref_slice %arg3[%add3A_57, %run_scoped3A_59, %dma_start3A_76] : memref<2500x2x128xi32, #tpu.memory_space<hbm>> -> memref<1x1x128xi32, #tpu.memory_space<hbm>>
        %dma_start3A_78 = tpu.memref_squeeze %dma_start3A_77 : memref<1x1x128xi32, #tpu.memory_space<hbm>> -> memref<1x128xi32, #tpu.memory_space<hbm>>
        %dma_start3A_79 = arith.constant 0 : i32
        %dma_start3A_80 = tpu.memref_slice %arg3[%add3A_57, %run_scoped3A_59, %dma_start3A_79] : memref<2500x2x128xi32, #tpu.memory_space<hbm>> -> memref<1x1x128xi32, #tpu.memory_space<hbm>>
        %dma_start3A_81 = tpu.memref_squeeze %dma_start3A_80 : memref<1x1x128xi32, #tpu.memory_space<hbm>> -> memref<1x128xi32, #tpu.memory_space<hbm>>
        tpu.enqueue_dma source(%dma_start3A_81 : memref<1x128xi32, #tpu.memory_space<hbm>>) target(%arg9 : memref<1x128xi32, #tpu.memory_space<vmem>>) target_semaphore(%run_scoped3A_75 : memref<!tpu.dma_semaphore, #tpu.memory_space<semaphore_mem>>)
        %dma_wait3A_82 = arith.constant 0 : i32
        %dma_wait3A_83 = tpu.memref_slice %arg3[%add3A_57, %run_scoped3A_59, %dma_wait3A_82] : memref<2500x2x128xi32, #tpu.memory_space<hbm>> -> memref<1x1x128xi32, #tpu.memory_space<hbm>>
        %dma_wait3A_84 = tpu.memref_squeeze %dma_wait3A_83 : memref<1x1x128xi32, #tpu.memory_space<hbm>> -> memref<1x128xi32, #tpu.memory_space<hbm>>
        %dma_wait3A_85 = arith.constant 0 : i32
        %dma_wait3A_86 = tpu.memref_slice %arg3[%add3A_57, %run_scoped3A_59, %dma_wait3A_85] : memref<2500x2x128xi32, #tpu.memory_space<hbm>> -> memref<1x1x128xi32, #tpu.memory_space<hbm>>
        %dma_wait3A_87 = tpu.memref_squeeze %dma_wait3A_86 : memref<1x1x128xi32, #tpu.memory_space<hbm>> -> memref<1x128xi32, #tpu.memory_space<hbm>>
        tpu.wait_dma2 semaphore(%run_scoped3A_75 : memref<!tpu.dma_semaphore, #tpu.memory_space<semaphore_mem>>) src(%dma_wait3A_87 : memref<1x128xi32, #tpu.memory_space<hbm>>) dst(%arg9 : memref<1x128xi32, #tpu.memory_space<vmem>>)
        tpu.yield
      }) : () -> ()
      %dma_start3A_60 = arith.constant 0 : i32
      %dma_start3A_61 = arith.constant 0 : i32
      %dma_start3A_62 = tpu.memref_slice %arg8[%dma_start3A_60, %dma_start3A_61] : memref<1x128xi32, #tpu.memory_space<vmem>> -> memref<1x128xi32, #tpu.memory_space<vmem>>
      %dma_start3A_63 = tpu.memref_squeeze %dma_start3A_62 : memref<1x128xi32, #tpu.memory_space<vmem>> -> memref<128xi32, #tpu.memory_space<vmem>>
      %dma_start3A_64 = arith.constant 0 : i32
      %dma_start3A_65 = arith.constant 0 : i32
      %dma_start3A_66 = tpu.memref_slice %arg2[%dma_start3A_64, %dma_start3A_65] : memref<10000x64xf32, #tpu.memory_space<hbm>> -> memref<10000x64xf32, #tpu.memory_space<hbm>>
      tpu.enqueue_indirect_dma source(%dma_start3A_66 : memref<10000x64xf32, #tpu.memory_space<hbm>>) target(%arg10 : memref<128x64xf32, #tpu.memory_space<vmem>>) offsets(%dma_start3A_63 : memref<128xi32, #tpu.memory_space<vmem>>) semaphore(%arg17 : memref<!tpu.dma_semaphore, #tpu.memory_space<semaphore_mem>>)
      %dma_wait3A_67 = arith.constant 0 : i32
      %dma_wait3A_68 = arith.constant 0 : i32
      %dma_wait3A_69 = tpu.memref_slice %arg8[%dma_wait3A_67, %dma_wait3A_68] : memref<1x128xi32, #tpu.memory_space<vmem>> -> memref<1x128xi32, #tpu.memory_space<vmem>>
      %dma_wait3A_70 = tpu.memref_squeeze %dma_wait3A_69 : memref<1x128xi32, #tpu.memory_space<vmem>> -> memref<128xi32, #tpu.memory_space<vmem>>
      %dma_wait3A_71 = arith.constant 0 : i32
      %dma_wait3A_72 = arith.constant 0 : i32
      %dma_wait3A_73 = tpu.memref_slice %arg2[%dma_wait3A_71, %dma_wait3A_72] : memref<10000x64xf32, #tpu.memory_space<hbm>> -> memref<10000x64xf32, #tpu.memory_space<hbm>>
      tpu.wait_indirect_dma semaphore(%arg17 : memref<!tpu.dma_semaphore, #tpu.memory_space<semaphore_mem>>) src(%dma_wait3A_73 : memref<10000x64xf32, #tpu.memory_space<hbm>>) dst(%arg10 : memref<128x64xf32, #tpu.memory_space<vmem>>)
      %run_scoped3A_74 = arith.constant 0 : i32
      "tpu.region"() ({
        %run_scoped3A_75 = tpu.sem_alloc : memref<!tpu.dma_semaphore, #tpu.memory_space<semaphore_mem>>
        %dma_start3A_76 = arith.constant 0 : i32
        %dma_start3A_77 = tpu.memref_slice %arg9[%run_scoped3A_74, %dma_start3A_76] : memref<1x128xi32, #tpu.memory_space<vmem>> -> memref<1x128xi32, #tpu.memory_space<vmem>>
        %dma_start3A_78 = tpu.memref_squeeze %dma_start3A_77 : memref<1x128xi32, #tpu.memory_space<vmem>> -> memref<128xi32, #tpu.memory_space<vmem>>
        %dma_start3A_79 = arith.constant 0 : i32
        %dma_start3A_80 = arith.constant 0 : i32
        %dma_start3A_81 = tpu.memref_slice %arg16[%dma_start3A_79, %dma_start3A_80] : memref<10240x64xf32, #tpu.memory_space<vmem_shared>> -> memref<10240x64xf32, #tpu.memory_space<vmem_shared>>
        tpu.enqueue_indirect_dma source(%arg10 : memref<128x64xf32, #tpu.memory_space<vmem>>) target(%dma_start3A_81 : memref<10240x64xf32, #tpu.memory_space<vmem_shared>>) offsets(%dma_start3A_78 : memref<128xi32, #tpu.memory_space<vmem>>) semaphore(%run_scoped3A_75 : memref<!tpu.dma_semaphore, #tpu.memory_space<semaphore_mem>>) {add = true}
        %dma_wait3A_82 = arith.constant 0 : i32
        %dma_wait3A_83 = tpu.memref_slice %arg9[%run_scoped3A_74, %dma_wait3A_82] : memref<1x128xi32, #tpu.memory_space<vmem>> -> memref<1x128xi32, #tpu.memory_space<vmem>>
        %dma_wait3A_84 = tpu.memref_squeeze %dma_wait3A_83 : memref<1x128xi32, #tpu.memory_space<vmem>> -> memref<128xi32, #tpu.memory_space<vmem>>
        %dma_wait3A_85 = arith.constant 0 : i32
        %dma_wait3A_86 = arith.constant 0 : i32
        %dma_wait3A_87 = tpu.memref_slice %arg16[%dma_wait3A_85, %dma_wait3A_86] : memref<10240x64xf32, #tpu.memory_space<vmem_shared>> -> memref<10240x64xf32, #tpu.memory_space<vmem_shared>>
        tpu.wait_indirect_dma semaphore(%run_scoped3A_75 : memref<!tpu.dma_semaphore, #tpu.memory_space<semaphore_mem>>) src(%arg10 : memref<128x64xf32, #tpu.memory_space<vmem>>) dst(%dma_wait3A_87 : memref<10240x64xf32, #tpu.memory_space<vmem_shared>>)
        tpu.yield
      }) : () -> ()
    } else {
    }
    %barrier3A_55 = arith.constant 0 : index
    tpu.barrier barrier_id(%barrier3A_55)
    "tpu.region"() ({
      %run_scoped3A_56 = tpu.sem_alloc : memref<!tpu.dma_semaphore, #tpu.memory_space<semaphore_mem>>
      %dma_start3A_57 = arith.constant 0 : i32
      %dma_start3A_58 = tpu.memref_slice %arg5[%arg0, %mul3A_2, %dma_start3A_57] : memref<2x10240x64xf32, #tpu.memory_space<hbm>> -> memref<1x640x64xf32, #tpu.memory_space<hbm>>
      %dma_start3A_59 = tpu.memref_squeeze %dma_start3A_58 : memref<1x640x64xf32, #tpu.memory_space<hbm>> -> memref<640x64xf32, #tpu.memory_space<hbm>>
      %dma_start3A_60 = arith.constant 0 : i32
      %dma_start3A_61 = tpu.memref_slice %arg16[%mul3A_2, %dma_start3A_60] : memref<10240x64xf32, #tpu.memory_space<vmem_shared>> -> memref<640x64xf32, #tpu.memory_space<vmem_shared>>
      tpu.enqueue_dma source(%dma_start3A_61 : memref<640x64xf32, #tpu.memory_space<vmem_shared>>) target(%dma_start3A_59 : memref<640x64xf32, #tpu.memory_space<hbm>>) target_semaphore(%run_scoped3A_56 : memref<!tpu.dma_semaphore, #tpu.memory_space<semaphore_mem>>)
      %dma_wait3A_62 = arith.constant 0 : i32
      %dma_wait3A_63 = tpu.memref_slice %arg5[%arg0, %mul3A_2, %dma_wait3A_62] : memref<2x10240x64xf32, #tpu.memory_space<hbm>> -> memref<1x640x64xf32, #tpu.memory_space<hbm>>
      %dma_wait3A_64 = tpu.memref_squeeze %dma_wait3A_63 : memref<1x640x64xf32, #tpu.memory_space<hbm>> -> memref<640x64xf32, #tpu.memory_space<hbm>>
      %dma_wait3A_65 = arith.constant 0 : i32
      %dma_wait3A_66 = tpu.memref_slice %arg16[%mul3A_2, %dma_wait3A_65] : memref<10240x64xf32, #tpu.memory_space<vmem_shared>> -> memref<640x64xf32, #tpu.memory_space<vmem_shared>>
      tpu.wait_dma2 semaphore(%run_scoped3A_56 : memref<!tpu.dma_semaphore, #tpu.memory_space<semaphore_mem>>) src(%dma_wait3A_66 : memref<640x64xf32, #tpu.memory_space<vmem_shared>>) dst(%dma_wait3A_64 : memref<640x64xf32, #tpu.memory_space<hbm>>)
      tpu.yield
    }) : () -> ()
    return
  }
}

#map = affine_map<(d0, d1) -> (0, 0)>
#map1 = affine_map<(d0, d1) -> (0, 0, 0)>
module attributes {stable_mosaic.version = 14 : i64} {
  func.func @k(%arg0: i32, %arg1: i32, %arg2: memref<10000x64xf32, #tpu.memory_space<hbm>>, %arg3: memref<2500x2x128xi32, #tpu.memory_space<hbm>>, %arg4: memref<10240x64xf32, #tpu.memory_space<hbm>>, %arg5: memref<2x10240x64xf32, #tpu.memory_space<hbm>>, %arg6: memref<78x128xi32, #tpu.memory_space<vmem>>, %arg7: memref<78x128xi32, #tpu.memory_space<vmem>>, %arg8: memref<1x128xi32, #tpu.memory_space<vmem>>, %arg9: memref<1x128xi32, #tpu.memory_space<vmem>>, %arg10: memref<128x64xf32, #tpu.memory_space<vmem>>, %arg11: memref<128x64xf32, #tpu.memory_space<vmem>>, %arg12: memref<128x64xf32, #tpu.memory_space<vmem>>, %arg13: memref<128x64xf32, #tpu.memory_space<vmem>>, %arg14: memref<128x64xf32, #tpu.memory_space<vmem>>, %arg15: memref<128x64xf32, #tpu.memory_space<vmem>>, %arg16: memref<10240x64xf32, #tpu.memory_space<vmem_shared>>, %arg17: memref<!tpu.dma_semaphore, #tpu.memory_space<semaphore_mem>>, %arg18: memref<!tpu.dma_semaphore, #tpu.memory_space<semaphore_mem>>, %arg19: memref<!tpu.dma_semaphore, #tpu.memory_space<semaphore_mem>>, %arg20: memref<!tpu.dma_semaphore, #tpu.memory_space<semaphore_mem>>, %arg21: memref<!tpu.dma_semaphore, #tpu.memory_space<semaphore_mem>>, %arg22: memref<!tpu.dma_semaphore, #tpu.memory_space<semaphore_mem>>, %arg23: memref<!tpu.dma_semaphore, #tpu.memory_space<semaphore_mem>>, %arg24: memref<!tpu.dma_semaphore, #tpu.memory_space<semaphore_mem>>, %arg25: memref<!tpu.dma_semaphore, #tpu.memory_space<semaphore_mem>>, %arg26: memref<!tpu.dma_semaphore, #tpu.memory_space<semaphore_mem>>, %arg27: memref<!tpu.dma_semaphore, #tpu.memory_space<semaphore_mem>>, %arg28: memref<!tpu.dma_semaphore, #tpu.memory_space<semaphore_mem>>) attributes {dimension_semantics = [#tpu.dimension_semantics<core_parallel>, #tpu.dimension_semantics<subcore_parallel>], iteration_bounds = array<i64: 2, 16>, scalar_prefetch = 0 : i64, scratch_operands = 23 : i64, tpu.core_type = #tpu.core_type<sc_vector_subcore>, window_params = [{transform_indices = #map}, {transform_indices = #map1}, {transform_indices = #map}, {transform_indices = #map1}]} {
    %mul3A = arith.constant 16 : i32
    %mul3A_0 = arith.muli %arg0, %mul3A : i32
    %add3A = arith.addi %mul3A_0, %arg1 : i32
    %mul3A_1 = arith.constant 640 : i32
    %mul3A_2 = arith.muli %arg1, %mul3A_1 : i32
    %mul3A_3 = arith.constant 78 : i32
    %mul3A_4 = arith.muli %add3A, %mul3A_3 : i32
    %run_scoped3A = arith.constant 0 : i32
    "tpu.region"() ({
      %run_scoped3A_56 = tpu.sem_alloc : memref<!tpu.dma_semaphore, #tpu.memory_space<semaphore_mem>>
      %dma_start3A_57 = arith.constant 0 : i32
      %dma_start3A_58 = tpu.memref_slice %arg3[%mul3A_4, %run_scoped3A, %dma_start3A_57] : memref<2500x2x128xi32, #tpu.memory_space<hbm>> -> memref<78x1x128xi32, #tpu.memory_space<hbm>>
      %dma_start3A_59 = tpu.memref_squeeze %dma_start3A_58 : memref<78x1x128xi32, #tpu.memory_space<hbm>> -> memref<78x128xi32, #tpu.memory_space<hbm>>
      %dma_start3A_60 = arith.constant 0 : i32
      %dma_start3A_61 = tpu.memref_slice %arg3[%mul3A_4, %run_scoped3A, %dma_start3A_60] : memref<2500x2x128xi32, #tpu.memory_space<hbm>> -> memref<78x1x128xi32, #tpu.memory_space<hbm>>
      %dma_start3A_62 = tpu.memref_squeeze %dma_start3A_61 : memref<78x1x128xi32, #tpu.memory_space<hbm>> -> memref<78x128xi32, #tpu.memory_space<hbm>>
      tpu.enqueue_dma source(%dma_start3A_62 : memref<78x128xi32, #tpu.memory_space<hbm>>) target(%arg6 : memref<78x128xi32, #tpu.memory_space<vmem>>) target_semaphore(%run_scoped3A_56 : memref<!tpu.dma_semaphore, #tpu.memory_space<semaphore_mem>>)
      %dma_wait3A_63 = arith.constant 0 : i32
      %dma_wait3A_64 = tpu.memref_slice %arg3[%mul3A_4, %run_scoped3A, %dma_wait3A_63] : memref<2500x2x128xi32, #tpu.memory_space<hbm>> -> memref<78x1x128xi32, #tpu.memory_space<hbm>>
      %dma_wait3A_65 = tpu.memref_squeeze %dma_wait3A_64 : memref<78x1x128xi32, #tpu.memory_space<hbm>> -> memref<78x128xi32, #tpu.memory_space<hbm>>
      %dma_wait3A_66 = arith.constant 0 : i32
      %dma_wait3A_67 = tpu.memref_slice %arg3[%mul3A_4, %run_scoped3A, %dma_wait3A_66] : memref<2500x2x128xi32, #tpu.memory_space<hbm>> -> memref<78x1x128xi32, #tpu.memory_space<hbm>>
      %dma_wait3A_68 = tpu.memref_squeeze %dma_wait3A_67 : memref<78x1x128xi32, #tpu.memory_space<hbm>> -> memref<78x128xi32, #tpu.memory_space<hbm>>
      tpu.wait_dma2 semaphore(%run_scoped3A_56 : memref<!tpu.dma_semaphore, #tpu.memory_space<semaphore_mem>>) src(%dma_wait3A_68 : memref<78x128xi32, #tpu.memory_space<hbm>>) dst(%arg6 : memref<78x128xi32, #tpu.memory_space<vmem>>)
      tpu.yield
    }) : () -> ()
    %mul3A_5 = arith.constant 78 : i32
    %mul3A_6 = arith.muli %add3A, %mul3A_5 : i32
    %run_scoped3A_7 = arith.constant 1 : i32
    "tpu.region"() ({
      %run_scoped3A_56 = tpu.sem_alloc : memref<!tpu.dma_semaphore, #tpu.memory_space<semaphore_mem>>
      %dma_start3A_57 = arith.constant 0 : i32
      %dma_start3A_58 = tpu.memref_slice %arg3[%mul3A_6, %run_scoped3A_7, %dma_start3A_57] : memref<2500x2x128xi32, #tpu.memory_space<hbm>> -> memref<78x1x128xi32, #tpu.memory_space<hbm>>
      %dma_start3A_59 = tpu.memref_squeeze %dma_start3A_58 : memref<78x1x128xi32, #tpu.memory_space<hbm>> -> memref<78x128xi32, #tpu.memory_space<hbm>>
      %dma_start3A_60 = arith.constant 0 : i32
      %dma_start3A_61 = tpu.memref_slice %arg3[%mul3A_6, %run_scoped3A_7, %dma_start3A_60] : memref<2500x2x128xi32, #tpu.memory_space<hbm>> -> memref<78x1x128xi32, #tpu.memory_space<hbm>>
      %dma_start3A_62 = tpu.memref_squeeze %dma_start3A_61 : memref<78x1x128xi32, #tpu.memory_space<hbm>> -> memref<78x128xi32, #tpu.memory_space<hbm>>
      tpu.enqueue_dma source(%dma_start3A_62 : memref<78x128xi32, #tpu.memory_space<hbm>>) target(%arg7 : memref<78x128xi32, #tpu.memory_space<vmem>>) target_semaphore(%run_scoped3A_56 : memref<!tpu.dma_semaphore, #tpu.memory_space<semaphore_mem>>)
      %dma_wait3A_63 = arith.constant 0 : i32
      %dma_wait3A_64 = tpu.memref_slice %arg3[%mul3A_6, %run_scoped3A_7, %dma_wait3A_63] : memref<2500x2x128xi32, #tpu.memory_space<hbm>> -> memref<78x1x128xi32, #tpu.memory_space<hbm>>
      %dma_wait3A_65 = tpu.memref_squeeze %dma_wait3A_64 : memref<78x1x128xi32, #tpu.memory_space<hbm>> -> memref<78x128xi32, #tpu.memory_space<hbm>>
      %dma_wait3A_66 = arith.constant 0 : i32
      %dma_wait3A_67 = tpu.memref_slice %arg3[%mul3A_6, %run_scoped3A_7, %dma_wait3A_66] : memref<2500x2x128xi32, #tpu.memory_space<hbm>> -> memref<78x1x128xi32, #tpu.memory_space<hbm>>
      %dma_wait3A_68 = tpu.memref_squeeze %dma_wait3A_67 : memref<78x1x128xi32, #tpu.memory_space<hbm>> -> memref<78x128xi32, #tpu.memory_space<hbm>>
      tpu.wait_dma2 semaphore(%run_scoped3A_56 : memref<!tpu.dma_semaphore, #tpu.memory_space<semaphore_mem>>) src(%dma_wait3A_68 : memref<78x128xi32, #tpu.memory_space<hbm>>) dst(%arg7 : memref<78x128xi32, #tpu.memory_space<vmem>>)
      tpu.yield
    }) : () -> ()
    %dma_start3A = arith.constant 0 : i32
    %dma_start3A_8 = arith.constant 0 : i32
    %dma_start3A_9 = tpu.memref_slice %arg6[%dma_start3A, %dma_start3A_8] : memref<78x128xi32, #tpu.memory_space<vmem>> -> memref<1x128xi32, #tpu.memory_space<vmem>>
    %dma_start3A_10 = tpu.memref_squeeze %dma_start3A_9 : memref<1x128xi32, #tpu.memory_space<vmem>> -> memref<128xi32, #tpu.memory_space<vmem>>
    %dma_start3A_11 = arith.constant 0 : i32
    %dma_start3A_12 = arith.constant 0 : i32
    %dma_start3A_13 = tpu.memref_slice %arg2[%dma_start3A_11, %dma_start3A_12] : memref<10000x64xf32, #tpu.memory_space<hbm>> -> memref<10000x64xf32, #tpu.memory_space<hbm>>
    tpu.enqueue_indirect_dma source(%dma_start3A_13 : memref<10000x64xf32, #tpu.memory_space<hbm>>) target(%arg10 : memref<128x64xf32, #tpu.memory_space<vmem>>) offsets(%dma_start3A_10 : memref<128xi32, #tpu.memory_space<vmem>>) semaphore(%arg17 : memref<!tpu.dma_semaphore, #tpu.memory_space<semaphore_mem>>)
    %dma_start3A_14 = arith.constant 1 : i32
    %dma_start3A_15 = arith.constant 0 : i32
    %dma_start3A_16 = tpu.memref_slice %arg6[%dma_start3A_14, %dma_start3A_15] : memref<78x128xi32, #tpu.memory_space<vmem>> -> memref<1x128xi32, #tpu.memory_space<vmem>>
    %dma_start3A_17 = tpu.memref_squeeze %dma_start3A_16 : memref<1x128xi32, #tpu.memory_space<vmem>> -> memref<128xi32, #tpu.memory_space<vmem>>
    %dma_start3A_18 = arith.constant 0 : i32
    %dma_start3A_19 = arith.constant 0 : i32
    %dma_start3A_20 = tpu.memref_slice %arg2[%dma_start3A_18, %dma_start3A_19] : memref<10000x64xf32, #tpu.memory_space<hbm>> -> memref<10000x64xf32, #tpu.memory_space<hbm>>
    tpu.enqueue_indirect_dma source(%dma_start3A_20 : memref<10000x64xf32, #tpu.memory_space<hbm>>) target(%arg11 : memref<128x64xf32, #tpu.memory_space<vmem>>) offsets(%dma_start3A_17 : memref<128xi32, #tpu.memory_space<vmem>>) semaphore(%arg18 : memref<!tpu.dma_semaphore, #tpu.memory_space<semaphore_mem>>)
    %dma_start3A_21 = arith.constant 2 : i32
    %dma_start3A_22 = arith.constant 0 : i32
    %dma_start3A_23 = tpu.memref_slice %arg6[%dma_start3A_21, %dma_start3A_22] : memref<78x128xi32, #tpu.memory_space<vmem>> -> memref<1x128xi32, #tpu.memory_space<vmem>>
    %dma_start3A_24 = tpu.memref_squeeze %dma_start3A_23 : memref<1x128xi32, #tpu.memory_space<vmem>> -> memref<128xi32, #tpu.memory_space<vmem>>
    %dma_start3A_25 = arith.constant 0 : i32
    %dma_start3A_26 = arith.constant 0 : i32
    %dma_start3A_27 = tpu.memref_slice %arg2[%dma_start3A_25, %dma_start3A_26] : memref<10000x64xf32, #tpu.memory_space<hbm>> -> memref<10000x64xf32, #tpu.memory_space<hbm>>
    tpu.enqueue_indirect_dma source(%dma_start3A_27 : memref<10000x64xf32, #tpu.memory_space<hbm>>) target(%arg12 : memref<128x64xf32, #tpu.memory_space<vmem>>) offsets(%dma_start3A_24 : memref<128xi32, #tpu.memory_space<vmem>>) semaphore(%arg19 : memref<!tpu.dma_semaphore, #tpu.memory_space<semaphore_mem>>)
    %dma_start3A_28 = arith.constant 3 : i32
    %dma_start3A_29 = arith.constant 0 : i32
    %dma_start3A_30 = tpu.memref_slice %arg6[%dma_start3A_28, %dma_start3A_29] : memref<78x128xi32, #tpu.memory_space<vmem>> -> memref<1x128xi32, #tpu.memory_space<vmem>>
    %dma_start3A_31 = tpu.memref_squeeze %dma_start3A_30 : memref<1x128xi32, #tpu.memory_space<vmem>> -> memref<128xi32, #tpu.memory_space<vmem>>
    %dma_start3A_32 = arith.constant 0 : i32
    %dma_start3A_33 = arith.constant 0 : i32
    %dma_start3A_34 = tpu.memref_slice %arg2[%dma_start3A_32, %dma_start3A_33] : memref<10000x64xf32, #tpu.memory_space<hbm>> -> memref<10000x64xf32, #tpu.memory_space<hbm>>
    tpu.enqueue_indirect_dma source(%dma_start3A_34 : memref<10000x64xf32, #tpu.memory_space<hbm>>) target(%arg13 : memref<128x64xf32, #tpu.memory_space<vmem>>) offsets(%dma_start3A_31 : memref<128xi32, #tpu.memory_space<vmem>>) semaphore(%arg20 : memref<!tpu.dma_semaphore, #tpu.memory_space<semaphore_mem>>)
    "tpu.region"() ({
      %run_scoped3A_56 = tpu.sem_alloc : memref<!tpu.dma_semaphore, #tpu.memory_space<semaphore_mem>>
      %dma_start3A_57 = arith.constant 0 : i32
      %dma_start3A_58 = tpu.memref_slice %arg16[%mul3A_2, %dma_start3A_57] : memref<10240x64xf32, #tpu.memory_space<vmem_shared>> -> memref<640x64xf32, #tpu.memory_space<vmem_shared>>
      %dma_start3A_59 = arith.constant 0 : i32
      %dma_start3A_60 = tpu.memref_slice %arg4[%mul3A_2, %dma_start3A_59] : memref<10240x64xf32, #tpu.memory_space<hbm>> -> memref<640x64xf32, #tpu.memory_space<hbm>>
      tpu.enqueue_dma source(%dma_start3A_60 : memref<640x64xf32, #tpu.memory_space<hbm>>) target(%dma_start3A_58 : memref<640x64xf32, #tpu.memory_space<vmem_shared>>) target_semaphore(%run_scoped3A_56 : memref<!tpu.dma_semaphore, #tpu.memory_space<semaphore_mem>>)
      %dma_wait3A_61 = arith.constant 0 : i32
      %dma_wait3A_62 = tpu.memref_slice %arg16[%mul3A_2, %dma_wait3A_61] : memref<10240x64xf32, #tpu.memory_space<vmem_shared>> -> memref<640x64xf32, #tpu.memory_space<vmem_shared>>
      %dma_wait3A_63 = arith.constant 0 : i32
      %dma_wait3A_64 = tpu.memref_slice %arg4[%mul3A_2, %dma_wait3A_63] : memref<10240x64xf32, #tpu.memory_space<hbm>> -> memref<640x64xf32, #tpu.memory_space<hbm>>
      tpu.wait_dma2 semaphore(%run_scoped3A_56 : memref<!tpu.dma_semaphore, #tpu.memory_space<semaphore_mem>>) src(%dma_wait3A_64 : memref<640x64xf32, #tpu.memory_space<hbm>>) dst(%dma_wait3A_62 : memref<640x64xf32, #tpu.memory_space<vmem_shared>>)
      tpu.yield
    }) : () -> ()
    %barrier3A = arith.constant 0 : index
    tpu.barrier barrier_id(%barrier3A)
    %scan3A = arith.constant 0 : i32
    %scan3A_35 = arith.constant 0 : i32
    %scan3A_36 = arith.constant 13 : i32
    %scan3A_37 = arith.addi %scan3A_35, %scan3A_36 : i32
    %scan3A_38 = arith.constant 1 : i32
    scf.for %scan3A_56 = %scan3A_35 to %scan3A_37 step %scan3A_38  : i32 {
      %mul3A_57 = arith.constant 6 : i32
      %mul3A_58 = arith.muli %mul3A_57, %scan3A_56 : i32
      %add3A_59 = arith.constant 0 : i32
      %add3A_60 = arith.addi %mul3A_58, %add3A_59 : i32
      %dma_wait3A_61 = arith.constant 0 : i32
      %dma_wait3A_62 = tpu.memref_slice %arg6[%add3A_60, %dma_wait3A_61] : memref<78x128xi32, #tpu.memory_space<vmem>> -> memref<1x128xi32, #tpu.memory_space<vmem>>
      %dma_wait3A_63 = tpu.memref_squeeze %dma_wait3A_62 : memref<1x128xi32, #tpu.memory_space<vmem>> -> memref<128xi32, #tpu.memory_space<vmem>>
      %dma_wait3A_64 = arith.constant 0 : i32
      %dma_wait3A_65 = arith.constant 0 : i32
      %dma_wait3A_66 = tpu.memref_slice %arg2[%dma_wait3A_64, %dma_wait3A_65] : memref<10000x64xf32, #tpu.memory_space<hbm>> -> memref<10000x64xf32, #tpu.memory_space<hbm>>
      tpu.wait_indirect_dma semaphore(%arg17 : memref<!tpu.dma_semaphore, #tpu.memory_space<semaphore_mem>>) src(%dma_wait3A_66 : memref<10000x64xf32, #tpu.memory_space<hbm>>) dst(%arg10 : memref<128x64xf32, #tpu.memory_space<vmem>>)
      %dma_start3A_67 = arith.constant 0 : i32
      %dma_start3A_68 = tpu.memref_slice %arg7[%add3A_60, %dma_start3A_67] : memref<78x128xi32, #tpu.memory_space<vmem>> -> memref<1x128xi32, #tpu.memory_space<vmem>>
      %dma_start3A_69 = tpu.memref_squeeze %dma_start3A_68 : memref<1x128xi32, #tpu.memory_space<vmem>> -> memref<128xi32, #tpu.memory_space<vmem>>
      %dma_start3A_70 = arith.constant 0 : i32
      %dma_start3A_71 = arith.constant 0 : i32
      %dma_start3A_72 = tpu.memref_slice %arg16[%dma_start3A_70, %dma_start3A_71] : memref<10240x64xf32, #tpu.memory_space<vmem_shared>> -> memref<10240x64xf32, #tpu.memory_space<vmem_shared>>
      tpu.enqueue_indirect_dma source(%arg10 : memref<128x64xf32, #tpu.memory_space<vmem>>) target(%dma_start3A_72 : memref<10240x64xf32, #tpu.memory_space<vmem_shared>>) offsets(%dma_start3A_69 : memref<128xi32, #tpu.memory_space<vmem>>) semaphore(%arg23 : memref<!tpu.dma_semaphore, #tpu.memory_space<semaphore_mem>>) {add = true}
      %ge3A = arith.constant 2 : i32
      %ge3A_73 = arith.cmpi sge, %add3A_60, %ge3A : i32
      %convert_element_type3A_74 = arith.extui %ge3A_73 : i1 to i32
      %cond3A_75 = arith.constant 0 : i32
      %cond3A_76 = arith.cmpi ne, %convert_element_type3A_74, %cond3A_75 : i32
      scf.if %cond3A_76 {
        %dma_wait3A_224 = arith.constant 0 : i32
        %dma_wait3A_225 = arith.constant 0 : i32
        %dma_wait3A_226 = tpu.memref_slice %arg7[%dma_wait3A_224, %dma_wait3A_225] : memref<78x128xi32, #tpu.memory_space<vmem>> -> memref<1x128xi32, #tpu.memory_space<vmem>>
        %dma_wait3A_227 = tpu.memref_squeeze %dma_wait3A_226 : memref<1x128xi32, #tpu.memory_space<vmem>> -> memref<128xi32, #tpu.memory_space<vmem>>
        %dma_wait3A_228 = arith.constant 0 : i32
        %dma_wait3A_229 = arith.constant 0 : i32
        %dma_wait3A_230 = tpu.memref_slice %arg16[%dma_wait3A_228, %dma_wait3A_229] : memref<10240x64xf32, #tpu.memory_space<vmem_shared>> -> memref<10240x64xf32, #tpu.memory_space<vmem_shared>>
        tpu.wait_indirect_dma semaphore(%arg27 : memref<!tpu.dma_semaphore, #tpu.memory_space<semaphore_mem>>) src(%arg14 : memref<128x64xf32, #tpu.memory_space<vmem>>) dst(%dma_wait3A_230 : memref<10240x64xf32, #tpu.memory_space<vmem_shared>>)
      } else {
      }
      %add3A_77 = arith.constant 4 : i32
      %add3A_78 = arith.addi %add3A_60, %add3A_77 : i32
      %lt3A_79 = arith.constant 78 : i32
      %lt3A_80 = arith.cmpi slt, %add3A_78, %lt3A_79 : i32
      %convert_element_type3A_81 = arith.extui %lt3A_80 : i1 to i32
      %cond3A_82 = arith.constant 0 : i32
      %cond3A_83 = arith.cmpi ne, %convert_element_type3A_81, %cond3A_82 : i32
      scf.if %cond3A_83 {
        %add3A_224 = arith.constant 4 : i32
        %add3A_225 = arith.addi %add3A_60, %add3A_224 : i32
        %dma_start3A_226 = arith.constant 0 : i32
        %dma_start3A_227 = tpu.memref_slice %arg6[%add3A_225, %dma_start3A_226] : memref<78x128xi32, #tpu.memory_space<vmem>> -> memref<1x128xi32, #tpu.memory_space<vmem>>
        %dma_start3A_228 = tpu.memref_squeeze %dma_start3A_227 : memref<1x128xi32, #tpu.memory_space<vmem>> -> memref<128xi32, #tpu.memory_space<vmem>>
        %dma_start3A_229 = arith.constant 0 : i32
        %dma_start3A_230 = arith.constant 0 : i32
        %dma_start3A_231 = tpu.memref_slice %arg2[%dma_start3A_229, %dma_start3A_230] : memref<10000x64xf32, #tpu.memory_space<hbm>> -> memref<10000x64xf32, #tpu.memory_space<hbm>>
        tpu.enqueue_indirect_dma source(%dma_start3A_231 : memref<10000x64xf32, #tpu.memory_space<hbm>>) target(%arg14 : memref<128x64xf32, #tpu.memory_space<vmem>>) offsets(%dma_start3A_228 : memref<128xi32, #tpu.memory_space<vmem>>) semaphore(%arg21 : memref<!tpu.dma_semaphore, #tpu.memory_space<semaphore_mem>>)
      } else {
      }
      %mul3A_84 = arith.constant 6 : i32
      %mul3A_85 = arith.muli %mul3A_84, %scan3A_56 : i32
      %add3A_86 = arith.constant 1 : i32
      %add3A_87 = arith.addi %mul3A_85, %add3A_86 : i32
      %dma_wait3A_88 = arith.constant 0 : i32
      %dma_wait3A_89 = tpu.memref_slice %arg6[%add3A_87, %dma_wait3A_88] : memref<78x128xi32, #tpu.memory_space<vmem>> -> memref<1x128xi32, #tpu.memory_space<vmem>>
      %dma_wait3A_90 = tpu.memref_squeeze %dma_wait3A_89 : memref<1x128xi32, #tpu.memory_space<vmem>> -> memref<128xi32, #tpu.memory_space<vmem>>
      %dma_wait3A_91 = arith.constant 0 : i32
      %dma_wait3A_92 = arith.constant 0 : i32
      %dma_wait3A_93 = tpu.memref_slice %arg2[%dma_wait3A_91, %dma_wait3A_92] : memref<10000x64xf32, #tpu.memory_space<hbm>> -> memref<10000x64xf32, #tpu.memory_space<hbm>>
      tpu.wait_indirect_dma semaphore(%arg18 : memref<!tpu.dma_semaphore, #tpu.memory_space<semaphore_mem>>) src(%dma_wait3A_93 : memref<10000x64xf32, #tpu.memory_space<hbm>>) dst(%arg11 : memref<128x64xf32, #tpu.memory_space<vmem>>)
      %dma_start3A_94 = arith.constant 0 : i32
      %dma_start3A_95 = tpu.memref_slice %arg7[%add3A_87, %dma_start3A_94] : memref<78x128xi32, #tpu.memory_space<vmem>> -> memref<1x128xi32, #tpu.memory_space<vmem>>
      %dma_start3A_96 = tpu.memref_squeeze %dma_start3A_95 : memref<1x128xi32, #tpu.memory_space<vmem>> -> memref<128xi32, #tpu.memory_space<vmem>>
      %dma_start3A_97 = arith.constant 0 : i32
      %dma_start3A_98 = arith.constant 0 : i32
      %dma_start3A_99 = tpu.memref_slice %arg16[%dma_start3A_97, %dma_start3A_98] : memref<10240x64xf32, #tpu.memory_space<vmem_shared>> -> memref<10240x64xf32, #tpu.memory_space<vmem_shared>>
      tpu.enqueue_indirect_dma source(%arg11 : memref<128x64xf32, #tpu.memory_space<vmem>>) target(%dma_start3A_99 : memref<10240x64xf32, #tpu.memory_space<vmem_shared>>) offsets(%dma_start3A_96 : memref<128xi32, #tpu.memory_space<vmem>>) semaphore(%arg24 : memref<!tpu.dma_semaphore, #tpu.memory_space<semaphore_mem>>) {add = true}
      %ge3A_100 = arith.constant 2 : i32
      %ge3A_101 = arith.cmpi sge, %add3A_87, %ge3A_100 : i32
      %convert_element_type3A_102 = arith.extui %ge3A_101 : i1 to i32
      %cond3A_103 = arith.constant 0 : i32
      %cond3A_104 = arith.cmpi ne, %convert_element_type3A_102, %cond3A_103 : i32
      scf.if %cond3A_104 {
        %dma_wait3A_224 = arith.constant 0 : i32
        %dma_wait3A_225 = arith.constant 0 : i32
        %dma_wait3A_226 = tpu.memref_slice %arg7[%dma_wait3A_224, %dma_wait3A_225] : memref<78x128xi32, #tpu.memory_space<vmem>> -> memref<1x128xi32, #tpu.memory_space<vmem>>
        %dma_wait3A_227 = tpu.memref_squeeze %dma_wait3A_226 : memref<1x128xi32, #tpu.memory_space<vmem>> -> memref<128xi32, #tpu.memory_space<vmem>>
        %dma_wait3A_228 = arith.constant 0 : i32
        %dma_wait3A_229 = arith.constant 0 : i32
        %dma_wait3A_230 = tpu.memref_slice %arg16[%dma_wait3A_228, %dma_wait3A_229] : memref<10240x64xf32, #tpu.memory_space<vmem_shared>> -> memref<10240x64xf32, #tpu.memory_space<vmem_shared>>
        tpu.wait_indirect_dma semaphore(%arg28 : memref<!tpu.dma_semaphore, #tpu.memory_space<semaphore_mem>>) src(%arg15 : memref<128x64xf32, #tpu.memory_space<vmem>>) dst(%dma_wait3A_230 : memref<10240x64xf32, #tpu.memory_space<vmem_shared>>)
      } else {
      }
      %add3A_105 = arith.constant 4 : i32
      %add3A_106 = arith.addi %add3A_87, %add3A_105 : i32
      %lt3A_107 = arith.constant 78 : i32
      %lt3A_108 = arith.cmpi slt, %add3A_106, %lt3A_107 : i32
      %convert_element_type3A_109 = arith.extui %lt3A_108 : i1 to i32
      %cond3A_110 = arith.constant 0 : i32
      %cond3A_111 = arith.cmpi ne, %convert_element_type3A_109, %cond3A_110 : i32
      scf.if %cond3A_111 {
        %add3A_224 = arith.constant 4 : i32
        %add3A_225 = arith.addi %add3A_87, %add3A_224 : i32
        %dma_start3A_226 = arith.constant 0 : i32
        %dma_start3A_227 = tpu.memref_slice %arg6[%add3A_225, %dma_start3A_226] : memref<78x128xi32, #tpu.memory_space<vmem>> -> memref<1x128xi32, #tpu.memory_space<vmem>>
        %dma_start3A_228 = tpu.memref_squeeze %dma_start3A_227 : memref<1x128xi32, #tpu.memory_space<vmem>> -> memref<128xi32, #tpu.memory_space<vmem>>
        %dma_start3A_229 = arith.constant 0 : i32
        %dma_start3A_230 = arith.constant 0 : i32
        %dma_start3A_231 = tpu.memref_slice %arg2[%dma_start3A_229, %dma_start3A_230] : memref<10000x64xf32, #tpu.memory_space<hbm>> -> memref<10000x64xf32, #tpu.memory_space<hbm>>
        tpu.enqueue_indirect_dma source(%dma_start3A_231 : memref<10000x64xf32, #tpu.memory_space<hbm>>) target(%arg15 : memref<128x64xf32, #tpu.memory_space<vmem>>) offsets(%dma_start3A_228 : memref<128xi32, #tpu.memory_space<vmem>>) semaphore(%arg22 : memref<!tpu.dma_semaphore, #tpu.memory_space<semaphore_mem>>)
      } else {
      }
      %mul3A_112 = arith.constant 6 : i32
      %mul3A_113 = arith.muli %mul3A_112, %scan3A_56 : i32
      %add3A_114 = arith.constant 2 : i32
      %add3A_115 = arith.addi %mul3A_113, %add3A_114 : i32
      %dma_wait3A_116 = arith.constant 0 : i32
      %dma_wait3A_117 = tpu.memref_slice %arg6[%add3A_115, %dma_wait3A_116] : memref<78x128xi32, #tpu.memory_space<vmem>> -> memref<1x128xi32, #tpu.memory_space<vmem>>
      %dma_wait3A_118 = tpu.memref_squeeze %dma_wait3A_117 : memref<1x128xi32, #tpu.memory_space<vmem>> -> memref<128xi32, #tpu.memory_space<vmem>>
      %dma_wait3A_119 = arith.constant 0 : i32
      %dma_wait3A_120 = arith.constant 0 : i32
      %dma_wait3A_121 = tpu.memref_slice %arg2[%dma_wait3A_119, %dma_wait3A_120] : memref<10000x64xf32, #tpu.memory_space<hbm>> -> memref<10000x64xf32, #tpu.memory_space<hbm>>
      tpu.wait_indirect_dma semaphore(%arg19 : memref<!tpu.dma_semaphore, #tpu.memory_space<semaphore_mem>>) src(%dma_wait3A_121 : memref<10000x64xf32, #tpu.memory_space<hbm>>) dst(%arg12 : memref<128x64xf32, #tpu.memory_space<vmem>>)
      %dma_start3A_122 = arith.constant 0 : i32
      %dma_start3A_123 = tpu.memref_slice %arg7[%add3A_115, %dma_start3A_122] : memref<78x128xi32, #tpu.memory_space<vmem>> -> memref<1x128xi32, #tpu.memory_space<vmem>>
      %dma_start3A_124 = tpu.memref_squeeze %dma_start3A_123 : memref<1x128xi32, #tpu.memory_space<vmem>> -> memref<128xi32, #tpu.memory_space<vmem>>
      %dma_start3A_125 = arith.constant 0 : i32
      %dma_start3A_126 = arith.constant 0 : i32
      %dma_start3A_127 = tpu.memref_slice %arg16[%dma_start3A_125, %dma_start3A_126] : memref<10240x64xf32, #tpu.memory_space<vmem_shared>> -> memref<10240x64xf32, #tpu.memory_space<vmem_shared>>
      tpu.enqueue_indirect_dma source(%arg12 : memref<128x64xf32, #tpu.memory_space<vmem>>) target(%dma_start3A_127 : memref<10240x64xf32, #tpu.memory_space<vmem_shared>>) offsets(%dma_start3A_124 : memref<128xi32, #tpu.memory_space<vmem>>) semaphore(%arg25 : memref<!tpu.dma_semaphore, #tpu.memory_space<semaphore_mem>>) {add = true}
      %ge3A_128 = arith.constant 2 : i32
      %ge3A_129 = arith.cmpi sge, %add3A_115, %ge3A_128 : i32
      %convert_element_type3A_130 = arith.extui %ge3A_129 : i1 to i32
      %cond3A_131 = arith.constant 0 : i32
      %cond3A_132 = arith.cmpi ne, %convert_element_type3A_130, %cond3A_131 : i32
      scf.if %cond3A_132 {
        %dma_wait3A_224 = arith.constant 0 : i32
        %dma_wait3A_225 = arith.constant 0 : i32
        %dma_wait3A_226 = tpu.memref_slice %arg7[%dma_wait3A_224, %dma_wait3A_225] : memref<78x128xi32, #tpu.memory_space<vmem>> -> memref<1x128xi32, #tpu.memory_space<vmem>>
        %dma_wait3A_227 = tpu.memref_squeeze %dma_wait3A_226 : memref<1x128xi32, #tpu.memory_space<vmem>> -> memref<128xi32, #tpu.memory_space<vmem>>
        %dma_wait3A_228 = arith.constant 0 : i32
        %dma_wait3A_229 = arith.constant 0 : i32
        %dma_wait3A_230 = tpu.memref_slice %arg16[%dma_wait3A_228, %dma_wait3A_229] : memref<10240x64xf32, #tpu.memory_space<vmem_shared>> -> memref<10240x64xf32, #tpu.memory_space<vmem_shared>>
        tpu.wait_indirect_dma semaphore(%arg23 : memref<!tpu.dma_semaphore, #tpu.memory_space<semaphore_mem>>) src(%arg10 : memref<128x64xf32, #tpu.memory_space<vmem>>) dst(%dma_wait3A_230 : memref<10240x64xf32, #tpu.memory_space<vmem_shared>>)
      } else {
      }
      %add3A_133 = arith.constant 4 : i32
      %add3A_134 = arith.addi %add3A_115, %add3A_133 : i32
      %lt3A_135 = arith.constant 78 : i32
      %lt3A_136 = arith.cmpi slt, %add3A_134, %lt3A_135 : i32
      %convert_element_type3A_137 = arith.extui %lt3A_136 : i1 to i32
      %cond3A_138 = arith.constant 0 : i32
      %cond3A_139 = arith.cmpi ne, %convert_element_type3A_137, %cond3A_138 : i32
      scf.if %cond3A_139 {
        %add3A_224 = arith.constant 4 : i32
        %add3A_225 = arith.addi %add3A_115, %add3A_224 : i32
        %dma_start3A_226 = arith.constant 0 : i32
        %dma_start3A_227 = tpu.memref_slice %arg6[%add3A_225, %dma_start3A_226] : memref<78x128xi32, #tpu.memory_space<vmem>> -> memref<1x128xi32, #tpu.memory_space<vmem>>
        %dma_start3A_228 = tpu.memref_squeeze %dma_start3A_227 : memref<1x128xi32, #tpu.memory_space<vmem>> -> memref<128xi32, #tpu.memory_space<vmem>>
        %dma_start3A_229 = arith.constant 0 : i32
        %dma_start3A_230 = arith.constant 0 : i32
        %dma_start3A_231 = tpu.memref_slice %arg2[%dma_start3A_229, %dma_start3A_230] : memref<10000x64xf32, #tpu.memory_space<hbm>> -> memref<10000x64xf32, #tpu.memory_space<hbm>>
        tpu.enqueue_indirect_dma source(%dma_start3A_231 : memref<10000x64xf32, #tpu.memory_space<hbm>>) target(%arg10 : memref<128x64xf32, #tpu.memory_space<vmem>>) offsets(%dma_start3A_228 : memref<128xi32, #tpu.memory_space<vmem>>) semaphore(%arg17 : memref<!tpu.dma_semaphore, #tpu.memory_space<semaphore_mem>>)
      } else {
      }
      %mul3A_140 = arith.constant 6 : i32
      %mul3A_141 = arith.muli %mul3A_140, %scan3A_56 : i32
      %add3A_142 = arith.constant 3 : i32
      %add3A_143 = arith.addi %mul3A_141, %add3A_142 : i32
      %dma_wait3A_144 = arith.constant 0 : i32
      %dma_wait3A_145 = tpu.memref_slice %arg6[%add3A_143, %dma_wait3A_144] : memref<78x128xi32, #tpu.memory_space<vmem>> -> memref<1x128xi32, #tpu.memory_space<vmem>>
      %dma_wait3A_146 = tpu.memref_squeeze %dma_wait3A_145 : memref<1x128xi32, #tpu.memory_space<vmem>> -> memref<128xi32, #tpu.memory_space<vmem>>
      %dma_wait3A_147 = arith.constant 0 : i32
      %dma_wait3A_148 = arith.constant 0 : i32
      %dma_wait3A_149 = tpu.memref_slice %arg2[%dma_wait3A_147, %dma_wait3A_148] : memref<10000x64xf32, #tpu.memory_space<hbm>> -> memref<10000x64xf32, #tpu.memory_space<hbm>>
      tpu.wait_indirect_dma semaphore(%arg20 : memref<!tpu.dma_semaphore, #tpu.memory_space<semaphore_mem>>) src(%dma_wait3A_149 : memref<10000x64xf32, #tpu.memory_space<hbm>>) dst(%arg13 : memref<128x64xf32, #tpu.memory_space<vmem>>)
      %dma_start3A_150 = arith.constant 0 : i32
      %dma_start3A_151 = tpu.memref_slice %arg7[%add3A_143, %dma_start3A_150] : memref<78x128xi32, #tpu.memory_space<vmem>> -> memref<1x128xi32, #tpu.memory_space<vmem>>
      %dma_start3A_152 = tpu.memref_squeeze %dma_start3A_151 : memref<1x128xi32, #tpu.memory_space<vmem>> -> memref<128xi32, #tpu.memory_space<vmem>>
      %dma_start3A_153 = arith.constant 0 : i32
      %dma_start3A_154 = arith.constant 0 : i32
      %dma_start3A_155 = tpu.memref_slice %arg16[%dma_start3A_153, %dma_start3A_154] : memref<10240x64xf32, #tpu.memory_space<vmem_shared>> -> memref<10240x64xf32, #tpu.memory_space<vmem_shared>>
      tpu.enqueue_indirect_dma source(%arg13 : memref<128x64xf32, #tpu.memory_space<vmem>>) target(%dma_start3A_155 : memref<10240x64xf32, #tpu.memory_space<vmem_shared>>) offsets(%dma_start3A_152 : memref<128xi32, #tpu.memory_space<vmem>>) semaphore(%arg26 : memref<!tpu.dma_semaphore, #tpu.memory_space<semaphore_mem>>) {add = true}
      %ge3A_156 = arith.constant 2 : i32
      %ge3A_157 = arith.cmpi sge, %add3A_143, %ge3A_156 : i32
      %convert_element_type3A_158 = arith.extui %ge3A_157 : i1 to i32
      %cond3A_159 = arith.constant 0 : i32
      %cond3A_160 = arith.cmpi ne, %convert_element_type3A_158, %cond3A_159 : i32
      scf.if %cond3A_160 {
        %dma_wait3A_224 = arith.constant 0 : i32
        %dma_wait3A_225 = arith.constant 0 : i32
        %dma_wait3A_226 = tpu.memref_slice %arg7[%dma_wait3A_224, %dma_wait3A_225] : memref<78x128xi32, #tpu.memory_space<vmem>> -> memref<1x128xi32, #tpu.memory_space<vmem>>
        %dma_wait3A_227 = tpu.memref_squeeze %dma_wait3A_226 : memref<1x128xi32, #tpu.memory_space<vmem>> -> memref<128xi32, #tpu.memory_space<vmem>>
        %dma_wait3A_228 = arith.constant 0 : i32
        %dma_wait3A_229 = arith.constant 0 : i32
        %dma_wait3A_230 = tpu.memref_slice %arg16[%dma_wait3A_228, %dma_wait3A_229] : memref<10240x64xf32, #tpu.memory_space<vmem_shared>> -> memref<10240x64xf32, #tpu.memory_space<vmem_shared>>
        tpu.wait_indirect_dma semaphore(%arg24 : memref<!tpu.dma_semaphore, #tpu.memory_space<semaphore_mem>>) src(%arg11 : memref<128x64xf32, #tpu.memory_space<vmem>>) dst(%dma_wait3A_230 : memref<10240x64xf32, #tpu.memory_space<vmem_shared>>)
      } else {
      }
      %add3A_161 = arith.constant 4 : i32
      %add3A_162 = arith.addi %add3A_143, %add3A_161 : i32
      %lt3A_163 = arith.constant 78 : i32
      %lt3A_164 = arith.cmpi slt, %add3A_162, %lt3A_163 : i32
      %convert_element_type3A_165 = arith.extui %lt3A_164 : i1 to i32
      %cond3A_166 = arith.constant 0 : i32
      %cond3A_167 = arith.cmpi ne, %convert_element_type3A_165, %cond3A_166 : i32
      scf.if %cond3A_167 {
        %add3A_224 = arith.constant 4 : i32
        %add3A_225 = arith.addi %add3A_143, %add3A_224 : i32
        %dma_start3A_226 = arith.constant 0 : i32
        %dma_start3A_227 = tpu.memref_slice %arg6[%add3A_225, %dma_start3A_226] : memref<78x128xi32, #tpu.memory_space<vmem>> -> memref<1x128xi32, #tpu.memory_space<vmem>>
        %dma_start3A_228 = tpu.memref_squeeze %dma_start3A_227 : memref<1x128xi32, #tpu.memory_space<vmem>> -> memref<128xi32, #tpu.memory_space<vmem>>
        %dma_start3A_229 = arith.constant 0 : i32
        %dma_start3A_230 = arith.constant 0 : i32
        %dma_start3A_231 = tpu.memref_slice %arg2[%dma_start3A_229, %dma_start3A_230] : memref<10000x64xf32, #tpu.memory_space<hbm>> -> memref<10000x64xf32, #tpu.memory_space<hbm>>
        tpu.enqueue_indirect_dma source(%dma_start3A_231 : memref<10000x64xf32, #tpu.memory_space<hbm>>) target(%arg11 : memref<128x64xf32, #tpu.memory_space<vmem>>) offsets(%dma_start3A_228 : memref<128xi32, #tpu.memory_space<vmem>>) semaphore(%arg18 : memref<!tpu.dma_semaphore, #tpu.memory_space<semaphore_mem>>)
      } else {
      }
      %mul3A_168 = arith.constant 6 : i32
      %mul3A_169 = arith.muli %mul3A_168, %scan3A_56 : i32
      %add3A_170 = arith.constant 4 : i32
      %add3A_171 = arith.addi %mul3A_169, %add3A_170 : i32
      %dma_wait3A_172 = arith.constant 0 : i32
      %dma_wait3A_173 = tpu.memref_slice %arg6[%add3A_171, %dma_wait3A_172] : memref<78x128xi32, #tpu.memory_space<vmem>> -> memref<1x128xi32, #tpu.memory_space<vmem>>
      %dma_wait3A_174 = tpu.memref_squeeze %dma_wait3A_173 : memref<1x128xi32, #tpu.memory_space<vmem>> -> memref<128xi32, #tpu.memory_space<vmem>>
      %dma_wait3A_175 = arith.constant 0 : i32
      %dma_wait3A_176 = arith.constant 0 : i32
      %dma_wait3A_177 = tpu.memref_slice %arg2[%dma_wait3A_175, %dma_wait3A_176] : memref<10000x64xf32, #tpu.memory_space<hbm>> -> memref<10000x64xf32, #tpu.memory_space<hbm>>
      tpu.wait_indirect_dma semaphore(%arg21 : memref<!tpu.dma_semaphore, #tpu.memory_space<semaphore_mem>>) src(%dma_wait3A_177 : memref<10000x64xf32, #tpu.memory_space<hbm>>) dst(%arg14 : memref<128x64xf32, #tpu.memory_space<vmem>>)
      %dma_start3A_178 = arith.constant 0 : i32
      %dma_start3A_179 = tpu.memref_slice %arg7[%add3A_171, %dma_start3A_178] : memref<78x128xi32, #tpu.memory_space<vmem>> -> memref<1x128xi32, #tpu.memory_space<vmem>>
      %dma_start3A_180 = tpu.memref_squeeze %dma_start3A_179 : memref<1x128xi32, #tpu.memory_space<vmem>> -> memref<128xi32, #tpu.memory_space<vmem>>
      %dma_start3A_181 = arith.constant 0 : i32
      %dma_start3A_182 = arith.constant 0 : i32
      %dma_start3A_183 = tpu.memref_slice %arg16[%dma_start3A_181, %dma_start3A_182] : memref<10240x64xf32, #tpu.memory_space<vmem_shared>> -> memref<10240x64xf32, #tpu.memory_space<vmem_shared>>
      tpu.enqueue_indirect_dma source(%arg14 : memref<128x64xf32, #tpu.memory_space<vmem>>) target(%dma_start3A_183 : memref<10240x64xf32, #tpu.memory_space<vmem_shared>>) offsets(%dma_start3A_180 : memref<128xi32, #tpu.memory_space<vmem>>) semaphore(%arg27 : memref<!tpu.dma_semaphore, #tpu.memory_space<semaphore_mem>>) {add = true}
      %ge3A_184 = arith.constant 2 : i32
      %ge3A_185 = arith.cmpi sge, %add3A_171, %ge3A_184 : i32
      %convert_element_type3A_186 = arith.extui %ge3A_185 : i1 to i32
      %cond3A_187 = arith.constant 0 : i32
      %cond3A_188 = arith.cmpi ne, %convert_element_type3A_186, %cond3A_187 : i32
      scf.if %cond3A_188 {
        %dma_wait3A_224 = arith.constant 0 : i32
        %dma_wait3A_225 = arith.constant 0 : i32
        %dma_wait3A_226 = tpu.memref_slice %arg7[%dma_wait3A_224, %dma_wait3A_225] : memref<78x128xi32, #tpu.memory_space<vmem>> -> memref<1x128xi32, #tpu.memory_space<vmem>>
        %dma_wait3A_227 = tpu.memref_squeeze %dma_wait3A_226 : memref<1x128xi32, #tpu.memory_space<vmem>> -> memref<128xi32, #tpu.memory_space<vmem>>
        %dma_wait3A_228 = arith.constant 0 : i32
        %dma_wait3A_229 = arith.constant 0 : i32
        %dma_wait3A_230 = tpu.memref_slice %arg16[%dma_wait3A_228, %dma_wait3A_229] : memref<10240x64xf32, #tpu.memory_space<vmem_shared>> -> memref<10240x64xf32, #tpu.memory_space<vmem_shared>>
        tpu.wait_indirect_dma semaphore(%arg25 : memref<!tpu.dma_semaphore, #tpu.memory_space<semaphore_mem>>) src(%arg12 : memref<128x64xf32, #tpu.memory_space<vmem>>) dst(%dma_wait3A_230 : memref<10240x64xf32, #tpu.memory_space<vmem_shared>>)
      } else {
      }
      %add3A_189 = arith.constant 4 : i32
      %add3A_190 = arith.addi %add3A_171, %add3A_189 : i32
      %lt3A_191 = arith.constant 78 : i32
      %lt3A_192 = arith.cmpi slt, %add3A_190, %lt3A_191 : i32
      %convert_element_type3A_193 = arith.extui %lt3A_192 : i1 to i32
      %cond3A_194 = arith.constant 0 : i32
      %cond3A_195 = arith.cmpi ne, %convert_element_type3A_193, %cond3A_194 : i32
      scf.if %cond3A_195 {
        %add3A_224 = arith.constant 4 : i32
        %add3A_225 = arith.addi %add3A_171, %add3A_224 : i32
        %dma_start3A_226 = arith.constant 0 : i32
        %dma_start3A_227 = tpu.memref_slice %arg6[%add3A_225, %dma_start3A_226] : memref<78x128xi32, #tpu.memory_space<vmem>> -> memref<1x128xi32, #tpu.memory_space<vmem>>
        %dma_start3A_228 = tpu.memref_squeeze %dma_start3A_227 : memref<1x128xi32, #tpu.memory_space<vmem>> -> memref<128xi32, #tpu.memory_space<vmem>>
        %dma_start3A_229 = arith.constant 0 : i32
        %dma_start3A_230 = arith.constant 0 : i32
        %dma_start3A_231 = tpu.memref_slice %arg2[%dma_start3A_229, %dma_start3A_230] : memref<10000x64xf32, #tpu.memory_space<hbm>> -> memref<10000x64xf32, #tpu.memory_space<hbm>>
        tpu.enqueue_indirect_dma source(%dma_start3A_231 : memref<10000x64xf32, #tpu.memory_space<hbm>>) target(%arg12 : memref<128x64xf32, #tpu.memory_space<vmem>>) offsets(%dma_start3A_228 : memref<128xi32, #tpu.memory_space<vmem>>) semaphore(%arg19 : memref<!tpu.dma_semaphore, #tpu.memory_space<semaphore_mem>>)
      } else {
      }
      %mul3A_196 = arith.constant 6 : i32
      %mul3A_197 = arith.muli %mul3A_196, %scan3A_56 : i32
      %add3A_198 = arith.constant 5 : i32
      %add3A_199 = arith.addi %mul3A_197, %add3A_198 : i32
      %dma_wait3A_200 = arith.constant 0 : i32
      %dma_wait3A_201 = tpu.memref_slice %arg6[%add3A_199, %dma_wait3A_200] : memref<78x128xi32, #tpu.memory_space<vmem>> -> memref<1x128xi32, #tpu.memory_space<vmem>>
      %dma_wait3A_202 = tpu.memref_squeeze %dma_wait3A_201 : memref<1x128xi32, #tpu.memory_space<vmem>> -> memref<128xi32, #tpu.memory_space<vmem>>
      %dma_wait3A_203 = arith.constant 0 : i32
      %dma_wait3A_204 = arith.constant 0 : i32
      %dma_wait3A_205 = tpu.memref_slice %arg2[%dma_wait3A_203, %dma_wait3A_204] : memref<10000x64xf32, #tpu.memory_space<hbm>> -> memref<10000x64xf32, #tpu.memory_space<hbm>>
      tpu.wait_indirect_dma semaphore(%arg22 : memref<!tpu.dma_semaphore, #tpu.memory_space<semaphore_mem>>) src(%dma_wait3A_205 : memref<10000x64xf32, #tpu.memory_space<hbm>>) dst(%arg15 : memref<128x64xf32, #tpu.memory_space<vmem>>)
      %dma_start3A_206 = arith.constant 0 : i32
      %dma_start3A_207 = tpu.memref_slice %arg7[%add3A_199, %dma_start3A_206] : memref<78x128xi32, #tpu.memory_space<vmem>> -> memref<1x128xi32, #tpu.memory_space<vmem>>
      %dma_start3A_208 = tpu.memref_squeeze %dma_start3A_207 : memref<1x128xi32, #tpu.memory_space<vmem>> -> memref<128xi32, #tpu.memory_space<vmem>>
      %dma_start3A_209 = arith.constant 0 : i32
      %dma_start3A_210 = arith.constant 0 : i32
      %dma_start3A_211 = tpu.memref_slice %arg16[%dma_start3A_209, %dma_start3A_210] : memref<10240x64xf32, #tpu.memory_space<vmem_shared>> -> memref<10240x64xf32, #tpu.memory_space<vmem_shared>>
      tpu.enqueue_indirect_dma source(%arg15 : memref<128x64xf32, #tpu.memory_space<vmem>>) target(%dma_start3A_211 : memref<10240x64xf32, #tpu.memory_space<vmem_shared>>) offsets(%dma_start3A_208 : memref<128xi32, #tpu.memory_space<vmem>>) semaphore(%arg28 : memref<!tpu.dma_semaphore, #tpu.memory_space<semaphore_mem>>) {add = true}
      %ge3A_212 = arith.constant 2 : i32
      %ge3A_213 = arith.cmpi sge, %add3A_199, %ge3A_212 : i32
      %convert_element_type3A_214 = arith.extui %ge3A_213 : i1 to i32
      %cond3A_215 = arith.constant 0 : i32
      %cond3A_216 = arith.cmpi ne, %convert_element_type3A_214, %cond3A_215 : i32
      scf.if %cond3A_216 {
        %dma_wait3A_224 = arith.constant 0 : i32
        %dma_wait3A_225 = arith.constant 0 : i32
        %dma_wait3A_226 = tpu.memref_slice %arg7[%dma_wait3A_224, %dma_wait3A_225] : memref<78x128xi32, #tpu.memory_space<vmem>> -> memref<1x128xi32, #tpu.memory_space<vmem>>
        %dma_wait3A_227 = tpu.memref_squeeze %dma_wait3A_226 : memref<1x128xi32, #tpu.memory_space<vmem>> -> memref<128xi32, #tpu.memory_space<vmem>>
        %dma_wait3A_228 = arith.constant 0 : i32
        %dma_wait3A_229 = arith.constant 0 : i32
        %dma_wait3A_230 = tpu.memref_slice %arg16[%dma_wait3A_228, %dma_wait3A_229] : memref<10240x64xf32, #tpu.memory_space<vmem_shared>> -> memref<10240x64xf32, #tpu.memory_space<vmem_shared>>
        tpu.wait_indirect_dma semaphore(%arg26 : memref<!tpu.dma_semaphore, #tpu.memory_space<semaphore_mem>>) src(%arg13 : memref<128x64xf32, #tpu.memory_space<vmem>>) dst(%dma_wait3A_230 : memref<10240x64xf32, #tpu.memory_space<vmem_shared>>)
      } else {
      }
      %add3A_217 = arith.constant 4 : i32
      %add3A_218 = arith.addi %add3A_199, %add3A_217 : i32
      %lt3A_219 = arith.constant 78 : i32
      %lt3A_220 = arith.cmpi slt, %add3A_218, %lt3A_219 : i32
      %convert_element_type3A_221 = arith.extui %lt3A_220 : i1 to i32
      %cond3A_222 = arith.constant 0 : i32
      %cond3A_223 = arith.cmpi ne, %convert_element_type3A_221, %cond3A_222 : i32
      scf.if %cond3A_223 {
        %add3A_224 = arith.constant 4 : i32
        %add3A_225 = arith.addi %add3A_199, %add3A_224 : i32
        %dma_start3A_226 = arith.constant 0 : i32
        %dma_start3A_227 = tpu.memref_slice %arg6[%add3A_225, %dma_start3A_226] : memref<78x128xi32, #tpu.memory_space<vmem>> -> memref<1x128xi32, #tpu.memory_space<vmem>>
        %dma_start3A_228 = tpu.memref_squeeze %dma_start3A_227 : memref<1x128xi32, #tpu.memory_space<vmem>> -> memref<128xi32, #tpu.memory_space<vmem>>
        %dma_start3A_229 = arith.constant 0 : i32
        %dma_start3A_230 = arith.constant 0 : i32
        %dma_start3A_231 = tpu.memref_slice %arg2[%dma_start3A_229, %dma_start3A_230] : memref<10000x64xf32, #tpu.memory_space<hbm>> -> memref<10000x64xf32, #tpu.memory_space<hbm>>
        tpu.enqueue_indirect_dma source(%dma_start3A_231 : memref<10000x64xf32, #tpu.memory_space<hbm>>) target(%arg13 : memref<128x64xf32, #tpu.memory_space<vmem>>) offsets(%dma_start3A_228 : memref<128xi32, #tpu.memory_space<vmem>>) semaphore(%arg20 : memref<!tpu.dma_semaphore, #tpu.memory_space<semaphore_mem>>)
      } else {
      }
    }
    %scan3A_39 = arith.constant 13 : i32
    %dma_wait3A = arith.constant 0 : i32
    %dma_wait3A_40 = arith.constant 0 : i32
    %dma_wait3A_41 = tpu.memref_slice %arg7[%dma_wait3A, %dma_wait3A_40] : memref<78x128xi32, #tpu.memory_space<vmem>> -> memref<1x128xi32, #tpu.memory_space<vmem>>
    %dma_wait3A_42 = tpu.memref_squeeze %dma_wait3A_41 : memref<1x128xi32, #tpu.memory_space<vmem>> -> memref<128xi32, #tpu.memory_space<vmem>>
    %dma_wait3A_43 = arith.constant 0 : i32
    %dma_wait3A_44 = arith.constant 0 : i32
    %dma_wait3A_45 = tpu.memref_slice %arg16[%dma_wait3A_43, %dma_wait3A_44] : memref<10240x64xf32, #tpu.memory_space<vmem_shared>> -> memref<10240x64xf32, #tpu.memory_space<vmem_shared>>
    tpu.wait_indirect_dma semaphore(%arg27 : memref<!tpu.dma_semaphore, #tpu.memory_space<semaphore_mem>>) src(%arg14 : memref<128x64xf32, #tpu.memory_space<vmem>>) dst(%dma_wait3A_45 : memref<10240x64xf32, #tpu.memory_space<vmem_shared>>)
    %dma_wait3A_46 = arith.constant 0 : i32
    %dma_wait3A_47 = arith.constant 0 : i32
    %dma_wait3A_48 = tpu.memref_slice %arg7[%dma_wait3A_46, %dma_wait3A_47] : memref<78x128xi32, #tpu.memory_space<vmem>> -> memref<1x128xi32, #tpu.memory_space<vmem>>
    %dma_wait3A_49 = tpu.memref_squeeze %dma_wait3A_48 : memref<1x128xi32, #tpu.memory_space<vmem>> -> memref<128xi32, #tpu.memory_space<vmem>>
    %dma_wait3A_50 = arith.constant 0 : i32
    %dma_wait3A_51 = arith.constant 0 : i32
    %dma_wait3A_52 = tpu.memref_slice %arg16[%dma_wait3A_50, %dma_wait3A_51] : memref<10240x64xf32, #tpu.memory_space<vmem_shared>> -> memref<10240x64xf32, #tpu.memory_space<vmem_shared>>
    tpu.wait_indirect_dma semaphore(%arg28 : memref<!tpu.dma_semaphore, #tpu.memory_space<semaphore_mem>>) src(%arg15 : memref<128x64xf32, #tpu.memory_space<vmem>>) dst(%dma_wait3A_52 : memref<10240x64xf32, #tpu.memory_space<vmem_shared>>)
    %lt3A = arith.constant 4 : i32
    %lt3A_53 = arith.cmpi slt, %add3A, %lt3A : i32
    %convert_element_type3A = arith.extui %lt3A_53 : i1 to i32
    %cond3A = arith.constant 0 : i32
    %cond3A_54 = arith.cmpi ne, %convert_element_type3A, %cond3A : i32
    scf.if %cond3A_54 {
      %add3A_56 = arith.constant 2496 : i32
      %add3A_57 = arith.addi %add3A_56, %add3A : i32
      %run_scoped3A_58 = arith.constant 0 : i32
      "tpu.region"() ({
        %run_scoped3A_75 = tpu.sem_alloc : memref<!tpu.dma_semaphore, #tpu.memory_space<semaphore_mem>>
        %dma_start3A_76 = arith.constant 0 : i32
        %dma_start3A_77 = tpu.memref_slice %arg3[%add3A_57, %run_scoped3A_58, %dma_start3A_76] : memref<2500x2x128xi32, #tpu.memory_space<hbm>> -> memref<1x1x128xi32, #tpu.memory_space<hbm>>
        %dma_start3A_78 = tpu.memref_squeeze %dma_start3A_77 : memref<1x1x128xi32, #tpu.memory_space<hbm>> -> memref<1x128xi32, #tpu.memory_space<hbm>>
        %dma_start3A_79 = arith.constant 0 : i32
        %dma_start3A_80 = tpu.memref_slice %arg3[%add3A_57, %run_scoped3A_58, %dma_start3A_79] : memref<2500x2x128xi32, #tpu.memory_space<hbm>> -> memref<1x1x128xi32, #tpu.memory_space<hbm>>
        %dma_start3A_81 = tpu.memref_squeeze %dma_start3A_80 : memref<1x1x128xi32, #tpu.memory_space<hbm>> -> memref<1x128xi32, #tpu.memory_space<hbm>>
        tpu.enqueue_dma source(%dma_start3A_81 : memref<1x128xi32, #tpu.memory_space<hbm>>) target(%arg8 : memref<1x128xi32, #tpu.memory_space<vmem>>) target_semaphore(%run_scoped3A_75 : memref<!tpu.dma_semaphore, #tpu.memory_space<semaphore_mem>>)
        %dma_wait3A_82 = arith.constant 0 : i32
        %dma_wait3A_83 = tpu.memref_slice %arg3[%add3A_57, %run_scoped3A_58, %dma_wait3A_82] : memref<2500x2x128xi32, #tpu.memory_space<hbm>> -> memref<1x1x128xi32, #tpu.memory_space<hbm>>
        %dma_wait3A_84 = tpu.memref_squeeze %dma_wait3A_83 : memref<1x1x128xi32, #tpu.memory_space<hbm>> -> memref<1x128xi32, #tpu.memory_space<hbm>>
        %dma_wait3A_85 = arith.constant 0 : i32
        %dma_wait3A_86 = tpu.memref_slice %arg3[%add3A_57, %run_scoped3A_58, %dma_wait3A_85] : memref<2500x2x128xi32, #tpu.memory_space<hbm>> -> memref<1x1x128xi32, #tpu.memory_space<hbm>>
        %dma_wait3A_87 = tpu.memref_squeeze %dma_wait3A_86 : memref<1x1x128xi32, #tpu.memory_space<hbm>> -> memref<1x128xi32, #tpu.memory_space<hbm>>
        tpu.wait_dma2 semaphore(%run_scoped3A_75 : memref<!tpu.dma_semaphore, #tpu.memory_space<semaphore_mem>>) src(%dma_wait3A_87 : memref<1x128xi32, #tpu.memory_space<hbm>>) dst(%arg8 : memref<1x128xi32, #tpu.memory_space<vmem>>)
        tpu.yield
      }) : () -> ()
      %run_scoped3A_59 = arith.constant 1 : i32
      "tpu.region"() ({
        %run_scoped3A_75 = tpu.sem_alloc : memref<!tpu.dma_semaphore, #tpu.memory_space<semaphore_mem>>
        %dma_start3A_76 = arith.constant 0 : i32
        %dma_start3A_77 = tpu.memref_slice %arg3[%add3A_57, %run_scoped3A_59, %dma_start3A_76] : memref<2500x2x128xi32, #tpu.memory_space<hbm>> -> memref<1x1x128xi32, #tpu.memory_space<hbm>>
        %dma_start3A_78 = tpu.memref_squeeze %dma_start3A_77 : memref<1x1x128xi32, #tpu.memory_space<hbm>> -> memref<1x128xi32, #tpu.memory_space<hbm>>
        %dma_start3A_79 = arith.constant 0 : i32
        %dma_start3A_80 = tpu.memref_slice %arg3[%add3A_57, %run_scoped3A_59, %dma_start3A_79] : memref<2500x2x128xi32, #tpu.memory_space<hbm>> -> memref<1x1x128xi32, #tpu.memory_space<hbm>>
        %dma_start3A_81 = tpu.memref_squeeze %dma_start3A_80 : memref<1x1x128xi32, #tpu.memory_space<hbm>> -> memref<1x128xi32, #tpu.memory_space<hbm>>
        tpu.enqueue_dma source(%dma_start3A_81 : memref<1x128xi32, #tpu.memory_space<hbm>>) target(%arg9 : memref<1x128xi32, #tpu.memory_space<vmem>>) target_semaphore(%run_scoped3A_75 : memref<!tpu.dma_semaphore, #tpu.memory_space<semaphore_mem>>)
        %dma_wait3A_82 = arith.constant 0 : i32
        %dma_wait3A_83 = tpu.memref_slice %arg3[%add3A_57, %run_scoped3A_59, %dma_wait3A_82] : memref<2500x2x128xi32, #tpu.memory_space<hbm>> -> memref<1x1x128xi32, #tpu.memory_space<hbm>>
        %dma_wait3A_84 = tpu.memref_squeeze %dma_wait3A_83 : memref<1x1x128xi32, #tpu.memory_space<hbm>> -> memref<1x128xi32, #tpu.memory_space<hbm>>
        %dma_wait3A_85 = arith.constant 0 : i32
        %dma_wait3A_86 = tpu.memref_slice %arg3[%add3A_57, %run_scoped3A_59, %dma_wait3A_85] : memref<2500x2x128xi32, #tpu.memory_space<hbm>> -> memref<1x1x128xi32, #tpu.memory_space<hbm>>
        %dma_wait3A_87 = tpu.memref_squeeze %dma_wait3A_86 : memref<1x1x128xi32, #tpu.memory_space<hbm>> -> memref<1x128xi32, #tpu.memory_space<hbm>>
        tpu.wait_dma2 semaphore(%run_scoped3A_75 : memref<!tpu.dma_semaphore, #tpu.memory_space<semaphore_mem>>) src(%dma_wait3A_87 : memref<1x128xi32, #tpu.memory_space<hbm>>) dst(%arg9 : memref<1x128xi32, #tpu.memory_space<vmem>>)
        tpu.yield
      }) : () -> ()
      %dma_start3A_60 = arith.constant 0 : i32
      %dma_start3A_61 = arith.constant 0 : i32
      %dma_start3A_62 = tpu.memref_slice %arg8[%dma_start3A_60, %dma_start3A_61] : memref<1x128xi32, #tpu.memory_space<vmem>> -> memref<1x128xi32, #tpu.memory_space<vmem>>
      %dma_start3A_63 = tpu.memref_squeeze %dma_start3A_62 : memref<1x128xi32, #tpu.memory_space<vmem>> -> memref<128xi32, #tpu.memory_space<vmem>>
      %dma_start3A_64 = arith.constant 0 : i32
      %dma_start3A_65 = arith.constant 0 : i32
      %dma_start3A_66 = tpu.memref_slice %arg2[%dma_start3A_64, %dma_start3A_65] : memref<10000x64xf32, #tpu.memory_space<hbm>> -> memref<10000x64xf32, #tpu.memory_space<hbm>>
      tpu.enqueue_indirect_dma source(%dma_start3A_66 : memref<10000x64xf32, #tpu.memory_space<hbm>>) target(%arg10 : memref<128x64xf32, #tpu.memory_space<vmem>>) offsets(%dma_start3A_63 : memref<128xi32, #tpu.memory_space<vmem>>) semaphore(%arg17 : memref<!tpu.dma_semaphore, #tpu.memory_space<semaphore_mem>>)
      %dma_wait3A_67 = arith.constant 0 : i32
      %dma_wait3A_68 = arith.constant 0 : i32
      %dma_wait3A_69 = tpu.memref_slice %arg8[%dma_wait3A_67, %dma_wait3A_68] : memref<1x128xi32, #tpu.memory_space<vmem>> -> memref<1x128xi32, #tpu.memory_space<vmem>>
      %dma_wait3A_70 = tpu.memref_squeeze %dma_wait3A_69 : memref<1x128xi32, #tpu.memory_space<vmem>> -> memref<128xi32, #tpu.memory_space<vmem>>
      %dma_wait3A_71 = arith.constant 0 : i32
      %dma_wait3A_72 = arith.constant 0 : i32
      %dma_wait3A_73 = tpu.memref_slice %arg2[%dma_wait3A_71, %dma_wait3A_72] : memref<10000x64xf32, #tpu.memory_space<hbm>> -> memref<10000x64xf32, #tpu.memory_space<hbm>>
      tpu.wait_indirect_dma semaphore(%arg17 : memref<!tpu.dma_semaphore, #tpu.memory_space<semaphore_mem>>) src(%dma_wait3A_73 : memref<10000x64xf32, #tpu.memory_space<hbm>>) dst(%arg10 : memref<128x64xf32, #tpu.memory_space<vmem>>)
      %run_scoped3A_74 = arith.constant 0 : i32
      "tpu.region"() ({
        %run_scoped3A_75 = tpu.sem_alloc : memref<!tpu.dma_semaphore, #tpu.memory_space<semaphore_mem>>
        %dma_start3A_76 = arith.constant 0 : i32
        %dma_start3A_77 = tpu.memref_slice %arg9[%run_scoped3A_74, %dma_start3A_76] : memref<1x128xi32, #tpu.memory_space<vmem>> -> memref<1x128xi32, #tpu.memory_space<vmem>>
        %dma_start3A_78 = tpu.memref_squeeze %dma_start3A_77 : memref<1x128xi32, #tpu.memory_space<vmem>> -> memref<128xi32, #tpu.memory_space<vmem>>
        %dma_start3A_79 = arith.constant 0 : i32
        %dma_start3A_80 = arith.constant 0 : i32
        %dma_start3A_81 = tpu.memref_slice %arg16[%dma_start3A_79, %dma_start3A_80] : memref<10240x64xf32, #tpu.memory_space<vmem_shared>> -> memref<10240x64xf32, #tpu.memory_space<vmem_shared>>
        tpu.enqueue_indirect_dma source(%arg10 : memref<128x64xf32, #tpu.memory_space<vmem>>) target(%dma_start3A_81 : memref<10240x64xf32, #tpu.memory_space<vmem_shared>>) offsets(%dma_start3A_78 : memref<128xi32, #tpu.memory_space<vmem>>) semaphore(%run_scoped3A_75 : memref<!tpu.dma_semaphore, #tpu.memory_space<semaphore_mem>>) {add = true}
        %dma_wait3A_82 = arith.constant 0 : i32
        %dma_wait3A_83 = tpu.memref_slice %arg9[%run_scoped3A_74, %dma_wait3A_82] : memref<1x128xi32, #tpu.memory_space<vmem>> -> memref<1x128xi32, #tpu.memory_space<vmem>>
        %dma_wait3A_84 = tpu.memref_squeeze %dma_wait3A_83 : memref<1x128xi32, #tpu.memory_space<vmem>> -> memref<128xi32, #tpu.memory_space<vmem>>
        %dma_wait3A_85 = arith.constant 0 : i32
        %dma_wait3A_86 = arith.constant 0 : i32
        %dma_wait3A_87 = tpu.memref_slice %arg16[%dma_wait3A_85, %dma_wait3A_86] : memref<10240x64xf32, #tpu.memory_space<vmem_shared>> -> memref<10240x64xf32, #tpu.memory_space<vmem_shared>>
        tpu.wait_indirect_dma semaphore(%run_scoped3A_75 : memref<!tpu.dma_semaphore, #tpu.memory_space<semaphore_mem>>) src(%arg10 : memref<128x64xf32, #tpu.memory_space<vmem>>) dst(%dma_wait3A_87 : memref<10240x64xf32, #tpu.memory_space<vmem_shared>>)
        tpu.yield
      }) : () -> ()
    } else {
    }
    %barrier3A_55 = arith.constant 0 : index
    tpu.barrier barrier_id(%barrier3A_55)
    "tpu.region"() ({
      %run_scoped3A_56 = tpu.sem_alloc : memref<!tpu.dma_semaphore, #tpu.memory_space<semaphore_mem>>
      %dma_start3A_57 = arith.constant 0 : i32
      %dma_start3A_58 = tpu.memref_slice %arg5[%arg0, %mul3A_2, %dma_start3A_57] : memref<2x10240x64xf32, #tpu.memory_space<hbm>> -> memref<1x640x64xf32, #tpu.memory_space<hbm>>
      %dma_start3A_59 = tpu.memref_squeeze %dma_start3A_58 : memref<1x640x64xf32, #tpu.memory_space<hbm>> -> memref<640x64xf32, #tpu.memory_space<hbm>>
      %dma_start3A_60 = arith.constant 0 : i32
      %dma_start3A_61 = tpu.memref_slice %arg16[%mul3A_2, %dma_start3A_60] : memref<10240x64xf32, #tpu.memory_space<vmem_shared>> -> memref<640x64xf32, #tpu.memory_space<vmem_shared>>
      tpu.enqueue_dma source(%dma_start3A_61 : memref<640x64xf32, #tpu.memory_space<vmem_shared>>) target(%dma_start3A_59 : memref<640x64xf32, #tpu.memory_space<hbm>>) target_semaphore(%run_scoped3A_56 : memref<!tpu.dma_semaphore, #tpu.memory_space<semaphore_mem>>)
      %dma_wait3A_62 = arith.constant 0 : i32
      %dma_wait3A_63 = tpu.memref_slice %arg5[%arg0, %mul3A_2, %dma_wait3A_62] : memref<2x10240x64xf32, #tpu.memory_space<hbm>> -> memref<1x640x64xf32, #tpu.memory_space<hbm>>
      %dma_wait3A_64 = tpu.memref_squeeze %dma_wait3A_63 : memref<1x640x64xf32, #tpu.memory_space<hbm>> -> memref<640x64xf32, #tpu.memory_space<hbm>>
      %dma_wait3A_65 = arith.constant 0 : i32
      %dma_wait3A_66 = tpu.memref_slice %arg16[%mul3A_2, %dma_wait3A_65] : memref<10240x64xf32, #tpu.memory_space<vmem_shared>> -> memref<640x64xf32, #tpu.memory_space<vmem_shared>>
      tpu.wait_dma2 semaphore(%run_scoped3A_56 : memref<!tpu.dma_semaphore, #tpu.memory_space<semaphore_mem>>) src(%dma_wait3A_66 : memref<640x64xf32, #tpu.memory_space<vmem_shared>>) dst(%dma_wait3A_64 : memref<640x64xf32, #tpu.memory_space<hbm>>)
      tpu.yield
    }) : () -> ()
    return
  }
}

module attributes {stable_mosaic.version = 14 : i64} {
  func.func @body(%arg0: i32, %arg1: memref<1000x128xf32, #tpu.memory_space<vmem>>, %arg2: memref<1000x128xf32, #tpu.memory_space<vmem>>, %arg3: memref<128x64xf32, #tpu.memory_space<vmem>>, %arg4: memref<1000x128xf32, #tpu.memory_space<vmem>>) attributes {dimension_semantics = [#tpu.dimension_semantics<arbitrary>], iteration_bounds = array<i64: 5>, scalar_prefetch = 0 : i64, scratch_operands = 0 : i64, tpu.core_type = #tpu.core_type<tc>, window_params = [{transform_indices = @transform_0, window_bounds = array<i64: 1000, 128>}, {transform_indices = @transform_1, window_bounds = array<i64: 1000, 128>}, {pipeline_mode = #tpu.pipeline_mode<synchronous>, transform_indices = @transform_2, window_bounds = array<i64: 128, 64>}, {transform_indices = @transform_3, window_bounds = array<i64: 1000, 128>}]} {
    %get3A = arith.constant 0 : index
    %get3A_0 = arith.constant 0 : index
    %get3A_1 = vector.load %arg1[%get3A, %get3A_0] : memref<1000x128xf32, #tpu.memory_space<vmem>>, vector<1000x128xf32>
    %get3A_2 = arith.constant 0 : index
    %get3A_3 = arith.constant 0 : index
    %get3A_4 = vector.load %arg3[%get3A_2, %get3A_3] : memref<128x64xf32, #tpu.memory_space<vmem>>, vector<128x64xf32>
    %dot_general3A = arith.constant dense<0.000000e+00> : vector<1000x64xf32>
    %dot_general3A_5 = tpu.matmul %get3A_1, %get3A_4, %dot_general3A {dimension_numbers = #tpu.dot_dimension_numbers<[1], [0], [0], [1], [0, 0, 1, 1], [], []>, transpose_lhs_hint = false} : vector<1000x128xf32>, vector<128x64xf32>, vector<1000x64xf32> -> vector<1000x64xf32>
    %get3A_6 = arith.constant 0 : index
    %get3A_7 = arith.constant 0 : index
    %get3A_8 = vector.load %arg2[%get3A_6, %get3A_7] : memref<1000x128xf32, #tpu.memory_space<vmem>>, vector<1000x128xf32>
    %get3A_9 = arith.constant 0 : index
    %get3A_10 = arith.constant 0 : index
    %get3A_11 = vector.load %arg3[%get3A_9, %get3A_10] : memref<128x64xf32, #tpu.memory_space<vmem>>, vector<128x64xf32>
    %dot_general3A_12 = arith.constant dense<0.000000e+00> : vector<1000x64xf32>
    %dot_general3A_13 = tpu.matmul %get3A_8, %get3A_11, %dot_general3A_12 {dimension_numbers = #tpu.dot_dimension_numbers<[1], [0], [0], [1], [0, 0, 1, 1], [], []>, transpose_lhs_hint = false} : vector<1000x128xf32>, vector<128x64xf32>, vector<1000x64xf32> -> vector<1000x64xf32>
    %concatenate3A = tpu.concatenate %dot_general3A_5, %dot_general3A_13 in 1 : vector<1000x64xf32>, vector<1000x64xf32> -> vector<1000x128xf32>
    %swap3A = arith.constant 0 : index
    %swap3A_14 = arith.constant 0 : index
    %swap3A_15 = vector.load %arg4[%swap3A, %swap3A_14] : memref<1000x128xf32, #tpu.memory_space<vmem>>, vector<1000x128xf32>
    tpu.vector_store %arg4[%swap3A, %swap3A_14], %concatenate3A {strides = array<i32>} : memref<1000x128xf32, #tpu.memory_space<vmem>>, vector<1000x128xf32>,
    return
  }
  func.func @transform_0(%arg0: i32) -> (i32, i32) {
    %c0_i32 = arith.constant 0 : i32
    %c0_i32_0 = arith.constant 0 : i32
    return %arg0, %c0_i32 : i32, i32
  }
  func.func @transform_1(%arg0: i32) -> (i32, i32) {
    %add3A = arith.constant 5 : i32
    %add3A_0 = arith.addi %arg0, %add3A : i32
    %c0_i32 = arith.constant 0 : i32
    %c0_i32_1 = arith.constant 0 : i32
    return %add3A_0, %c0_i32 : i32, i32
  }
  func.func @transform_2(%arg0: i32) -> (i32, i32) {
    %c0_i32 = arith.constant 0 : i32
    %c0_i32_0 = arith.constant 0 : i32
    %c0_i32_1 = arith.constant 0 : i32
    return %c0_i32, %c0_i32_0 : i32, i32
  }
  func.func @transform_3(%arg0: i32) -> (i32, i32) {
    %c0_i32 = arith.constant 0 : i32
    %c0_i32_0 = arith.constant 0 : i32
    return %arg0, %c0_i32 : i32, i32
  }
}

module attributes {stable_mosaic.version = 14 : i64} {
  func.func @body(%arg0: i32, %arg1: memref<1000x128xf32, #tpu.memory_space<vmem>>, %arg2: memref<2x1000x128xf32, #tpu.memory_space<vmem>>, %arg3: memref<1x128xf32, #tpu.memory_space<vmem>>, %arg4: memref<128x128xf32, #tpu.memory_space<vmem>>, %arg5: memref<1x128xf32, #tpu.memory_space<vmem>>, %arg6: memref<1000x128xf32, #tpu.memory_space<vmem>>) attributes {dimension_semantics = [#tpu.dimension_semantics<arbitrary>], iteration_bounds = array<i64: 5>, scalar_prefetch = 0 : i64, scratch_operands = 0 : i64, tpu.core_type = #tpu.core_type<tc>, window_params = [{transform_indices = @transform_0, window_bounds = array<i64: 1000, 128>}, {transform_indices = @transform_1, window_bounds = array<i64: 2, 1000, 128>}, {pipeline_mode = #tpu.pipeline_mode<synchronous>, transform_indices = @transform_2, window_bounds = array<i64: 1, 128>}, {pipeline_mode = #tpu.pipeline_mode<synchronous>, transform_indices = @transform_3, window_bounds = array<i64: 128, 128>}, {pipeline_mode = #tpu.pipeline_mode<synchronous>, transform_indices = @transform_4, window_bounds = array<i64: 1, 128>}, {transform_indices = @transform_5, window_bounds = array<i64: 1000, 128>}]} {
    %get3A = arith.constant 0 : index
    %get3A_0 = arith.constant 0 : index
    %get3A_1 = vector.load %arg1[%get3A, %get3A_0] : memref<1000x128xf32, #tpu.memory_space<vmem>>, vector<1000x128xf32>
    %get3A_2 = arith.constant 0 : index
    %get3A_3 = arith.constant 0 : index
    %get3A_4 = arith.constant 0 : index
    %get3A_5 = vector.load %arg2[%get3A_2, %get3A_3, %get3A_4] : memref<2x1000x128xf32, #tpu.memory_space<vmem>>, vector<1x1000x128xf32>
    %get3A_6 = vector.shape_cast %get3A_5 : vector<1x1000x128xf32> to vector<1000x128xf32>
    %add3A = arith.addf %get3A_1, %get3A_6 : vector<1000x128xf32>
    %get3A_7 = arith.constant 1 : index
    %get3A_8 = arith.constant 0 : index
    %get3A_9 = arith.constant 0 : index
    %get3A_10 = vector.load %arg2[%get3A_7, %get3A_8, %get3A_9] : memref<2x1000x128xf32, #tpu.memory_space<vmem>>, vector<1x1000x128xf32>
    %get3A_11 = vector.shape_cast %get3A_10 : vector<1x1000x128xf32> to vector<1000x128xf32>
    %add3A_12 = arith.addf %add3A, %get3A_11 : vector<1000x128xf32>
    %get3A_13 = arith.constant 0 : index
    %get3A_14 = arith.constant 0 : index
    %get3A_15 = vector.load %arg3[%get3A_13, %get3A_14] : memref<1x128xf32, #tpu.memory_space<vmem>>, vector<1x128xf32>
    %add3A_16 = vector.broadcast %get3A_15 : vector<1x128xf32> to vector<1000x128xf32>
    %add3A_17 = arith.addf %add3A_12, %add3A_16 : vector<1000x128xf32>
    %max3A = arith.constant 0.000000e+00 : f32
    %max3A_18 = vector.broadcast %max3A : f32 to vector<1000x128xf32>
    %max3A_19 = arith.maximumf %add3A_17, %max3A_18 : vector<1000x128xf32>
    %get3A_20 = arith.constant 0 : index
    %get3A_21 = arith.constant 0 : index
    %get3A_22 = vector.load %arg4[%get3A_20, %get3A_21] : memref<128x128xf32, #tpu.memory_space<vmem>>, vector<128x128xf32>
    %dot_general3A = arith.constant dense<0.000000e+00> : vector<1000x128xf32>
    %dot_general3A_23 = tpu.matmul %max3A_19, %get3A_22, %dot_general3A {dimension_numbers = #tpu.dot_dimension_numbers<[1], [0], [0], [1], [0, 0, 1, 1], [], []>, transpose_lhs_hint = false} : vector<1000x128xf32>, vector<128x128xf32>, vector<1000x128xf32> -> vector<1000x128xf32>
    %get3A_24 = arith.constant 0 : index
    %get3A_25 = arith.constant 0 : index
    %get3A_26 = vector.load %arg5[%get3A_24, %get3A_25] : memref<1x128xf32, #tpu.memory_space<vmem>>, vector<1x128xf32>
    %add3A_27 = vector.broadcast %get3A_26 : vector<1x128xf32> to vector<1000x128xf32>
    %add3A_28 = arith.addf %dot_general3A_23, %add3A_27 : vector<1000x128xf32>
    %max3A_29 = arith.constant 0.000000e+00 : f32
    %max3A_30 = vector.broadcast %max3A_29 : f32 to vector<1000x128xf32>
    %max3A_31 = arith.maximumf %add3A_28, %max3A_30 : vector<1000x128xf32>
    %swap3A = arith.constant 0 : index
    %swap3A_32 = arith.constant 0 : index
    %swap3A_33 = vector.load %arg6[%swap3A, %swap3A_32] : memref<1000x128xf32, #tpu.memory_space<vmem>>, vector<1000x128xf32>
    tpu.vector_store %arg6[%swap3A, %swap3A_32], %max3A_31 {strides = array<i32>} : memref<1000x128xf32, #tpu.memory_space<vmem>>, vector<1000x128xf32>,
    return
  }
  func.func @transform_0(%arg0: i32) -> (i32, i32) {
    %c0_i32 = arith.constant 0 : i32
    %c0_i32_0 = arith.constant 0 : i32
    return %arg0, %c0_i32 : i32, i32
  }
  func.func @transform_1(%arg0: i32) -> (i32, i32, i32) {
    %c0_i32 = arith.constant 0 : i32
    %c0_i32_0 = arith.constant 0 : i32
    %c0_i32_1 = arith.constant 0 : i32
    return %c0_i32, %arg0, %c0_i32_0 : i32, i32, i32
  }
  func.func @transform_2(%arg0: i32) -> (i32, i32) {
    %c0_i32 = arith.constant 0 : i32
    %c0_i32_0 = arith.constant 0 : i32
    %c0_i32_1 = arith.constant 0 : i32
    return %c0_i32, %c0_i32_0 : i32, i32
  }
  func.func @transform_3(%arg0: i32) -> (i32, i32) {
    %c0_i32 = arith.constant 0 : i32
    %c0_i32_0 = arith.constant 0 : i32
    %c0_i32_1 = arith.constant 0 : i32
    return %c0_i32, %c0_i32_0 : i32, i32
  }
  func.func @transform_4(%arg0: i32) -> (i32, i32) {
    %c0_i32 = arith.constant 0 : i32
    %c0_i32_0 = arith.constant 0 : i32
    %c0_i32_1 = arith.constant 0 : i32
    return %c0_i32, %c0_i32_0 : i32, i32
  }
  func.func @transform_5(%arg0: i32) -> (i32, i32) {
    %c0_i32 = arith.constant 0 : i32
    %c0_i32_0 = arith.constant 0 : i32
    return %arg0, %c0_i32 : i32, i32
  }
}

module attributes {stable_mosaic.version = 14 : i64} {
  func.func @body(%arg0: i32, %arg1: memref<1000x128xf32, #tpu.memory_space<vmem>>, %arg2: memref<2x1000x128xf32, #tpu.memory_space<vmem>>, %arg3: memref<1x1x1000xi32, #tpu.memory_space<vmem>>, %arg4: memref<1x1x1000xi32, #tpu.memory_space<vmem>>, %arg5: memref<1x128xf32, #tpu.memory_space<vmem>>, %arg6: memref<128x128xf32, #tpu.memory_space<vmem>>, %arg7: memref<1x128xf32, #tpu.memory_space<vmem>>, %arg8: memref<128x128xf32, #tpu.memory_space<vmem>>, %arg9: memref<64x6xf32, #tpu.memory_space<vmem>>, %arg10: memref<1x6xf32, #tpu.memory_space<vmem>>, %arg11: memref<64x6xf32, #tpu.memory_space<vmem>>, %arg12: memref<64x64xf32, #tpu.memory_space<vmem>>, %arg13: memref<64x1xf32, #tpu.memory_space<vmem>>) attributes {dimension_semantics = [#tpu.dimension_semantics<arbitrary>], iteration_bounds = array<i64: 5>, scalar_prefetch = 0 : i64, scratch_operands = 2 : i64, tpu.core_type = #tpu.core_type<tc>, window_params = [{transform_indices = @transform_0, window_bounds = array<i64: 1000, 128>}, {transform_indices = @transform_1, window_bounds = array<i64: 2, 1000, 128>}, {transform_indices = @transform_2, window_bounds = array<i64: 1, 1, 1000>}, {transform_indices = @transform_3, window_bounds = array<i64: 1, 1, 1000>}, {pipeline_mode = #tpu.pipeline_mode<synchronous>, transform_indices = @transform_4, window_bounds = array<i64: 1, 128>}, {pipeline_mode = #tpu.pipeline_mode<synchronous>, transform_indices = @transform_5, window_bounds = array<i64: 128, 128>}, {pipeline_mode = #tpu.pipeline_mode<synchronous>, transform_indices = @transform_6, window_bounds = array<i64: 1, 128>}, {pipeline_mode = #tpu.pipeline_mode<synchronous>, transform_indices = @transform_7, window_bounds = array<i64: 128, 128>}, {pipeline_mode = #tpu.pipeline_mode<synchronous>, transform_indices = @transform_8, window_bounds = array<i64: 64, 6>}, {pipeline_mode = #tpu.pipeline_mode<synchronous>, transform_indices = @transform_9, window_bounds = array<i64: 1, 6>}, {pipeline_mode = #tpu.pipeline_mode<synchronous>, transform_indices = @transform_10, window_bounds = array<i64: 64, 6>}]} {
    %eq3A = arith.constant 0 : i32
    %eq3A_0 = arith.cmpi eq, %arg0, %eq3A : i32
    %convert_element_type3A = arith.extui %eq3A_0 : i1 to i32
    %cond3A = arith.constant 0 : i32
    %cond3A_1 = arith.cmpi ne, %convert_element_type3A, %cond3A : i32
    scf.if %cond3A_1 {
      %broadcast_in_dim3A_85 = arith.constant 0.000000e+00 : f32
      %broadcast_in_dim3A_86 = vector.broadcast %broadcast_in_dim3A_85 : f32 to vector<64x64xf32>
      %swap3A_87 = arith.constant 0 : index
      %swap3A_88 = arith.constant 0 : index
      %swap3A_89 = vector.load %arg12[%swap3A_87, %swap3A_88] : memref<64x64xf32, #tpu.memory_space<vmem>>, vector<64x64xf32>
      tpu.vector_store %arg12[%swap3A_87, %swap3A_88], %broadcast_in_dim3A_86 {strides = array<i32>} : memref<64x64xf32, #tpu.memory_space<vmem>>, vector<64x64xf32>,
      %broadcast_in_dim3A_90 = arith.constant 0.000000e+00 : f32
      %broadcast_in_dim3A_91 = vector.broadcast %broadcast_in_dim3A_90 : f32 to vector<64x1xf32>
      %swap3A_92 = arith.constant 0 : index
      %swap3A_93 = arith.constant 0 : index
      %swap3A_94 = vector.load %arg13[%swap3A_92, %swap3A_93] : memref<64x1xf32, #tpu.memory_space<vmem>>, vector<64x1xf32>
      tpu.vector_store %arg13[%swap3A_92, %swap3A_93], %broadcast_in_dim3A_91 {strides = array<i32>} : memref<64x1xf32, #tpu.memory_space<vmem>>, vector<64x1xf32>,
    } else {
    }
    %get3A = arith.constant 0 : index
    %get3A_2 = arith.constant 0 : index
    %get3A_3 = vector.load %arg1[%get3A, %get3A_2] : memref<1000x128xf32, #tpu.memory_space<vmem>>, vector<1000x128xf32>
    %get3A_4 = arith.constant 0 : index
    %get3A_5 = arith.constant 0 : index
    %get3A_6 = arith.constant 0 : index
    %get3A_7 = vector.load %arg2[%get3A_4, %get3A_5, %get3A_6] : memref<2x1000x128xf32, #tpu.memory_space<vmem>>, vector<1x1000x128xf32>
    %get3A_8 = vector.shape_cast %get3A_7 : vector<1x1000x128xf32> to vector<1000x128xf32>
    %add3A = arith.addf %get3A_3, %get3A_8 : vector<1000x128xf32>
    %get3A_9 = arith.constant 1 : index
    %get3A_10 = arith.constant 0 : index
    %get3A_11 = arith.constant 0 : index
    %get3A_12 = vector.load %arg2[%get3A_9, %get3A_10, %get3A_11] : memref<2x1000x128xf32, #tpu.memory_space<vmem>>, vector<1x1000x128xf32>
    %get3A_13 = vector.shape_cast %get3A_12 : vector<1x1000x128xf32> to vector<1000x128xf32>
    %add3A_14 = arith.addf %add3A, %get3A_13 : vector<1000x128xf32>
    %get3A_15 = arith.constant 0 : index
    %get3A_16 = arith.constant 0 : index
    %get3A_17 = vector.load %arg6[%get3A_15, %get3A_16] : memref<128x128xf32, #tpu.memory_space<vmem>>, vector<128x128xf32>
    %dot_general3A = arith.constant dense<0.000000e+00> : vector<1000x128xf32>
    %dot_general3A_18 = tpu.matmul %add3A_14, %get3A_17, %dot_general3A {dimension_numbers = #tpu.dot_dimension_numbers<[1], [0], [0], [1], [0, 0, 1, 1], [], []>, transpose_lhs_hint = false} : vector<1000x128xf32>, vector<128x128xf32>, vector<1000x128xf32> -> vector<1000x128xf32>
    %get3A_19 = arith.constant 0 : index
    %get3A_20 = arith.constant 0 : index
    %get3A_21 = vector.load %arg5[%get3A_19, %get3A_20] : memref<1x128xf32, #tpu.memory_space<vmem>>, vector<1x128xf32>
    %add3A_22 = vector.broadcast %get3A_21 : vector<1x128xf32> to vector<1000x128xf32>
    %add3A_23 = arith.addf %dot_general3A_18, %add3A_22 : vector<1000x128xf32>
    %max3A = arith.constant 0.000000e+00 : f32
    %max3A_24 = vector.broadcast %max3A : f32 to vector<1000x128xf32>
    %max3A_25 = arith.maximumf %add3A_23, %max3A_24 : vector<1000x128xf32>
    %get3A_26 = arith.constant 0 : index
    %get3A_27 = arith.constant 0 : index
    %get3A_28 = vector.load %arg8[%get3A_26, %get3A_27] : memref<128x128xf32, #tpu.memory_space<vmem>>, vector<128x128xf32>
    %dot_general3A_29 = arith.constant dense<0.000000e+00> : vector<1000x128xf32>
    %dot_general3A_30 = tpu.matmul %max3A_25, %get3A_28, %dot_general3A_29 {dimension_numbers = #tpu.dot_dimension_numbers<[1], [0], [0], [1], [0, 0, 1, 1], [], []>, transpose_lhs_hint = false} : vector<1000x128xf32>, vector<128x128xf32>, vector<1000x128xf32> -> vector<1000x128xf32>
    %get3A_31 = arith.constant 0 : index
    %get3A_32 = arith.constant 0 : index
    %get3A_33 = vector.load %arg7[%get3A_31, %get3A_32] : memref<1x128xf32, #tpu.memory_space<vmem>>, vector<1x128xf32>
    %add3A_34 = vector.broadcast %get3A_33 : vector<1x128xf32> to vector<1000x128xf32>
    %add3A_35 = arith.addf %dot_general3A_30, %add3A_34 : vector<1000x128xf32>
    %iota3A = tpu.iota {dimensions = array<i32: 0>} : vector<64x1000xi32>
    %get3A_36 = arith.constant 0 : index
    %get3A_37 = arith.constant 0 : index
    %get3A_38 = arith.constant 0 : index
    %get3A_39 = vector.load %arg3[%get3A_36, %get3A_37, %get3A_38] : memref<1x1x1000xi32, #tpu.memory_space<vmem>>, vector<1x1x1000xi32>
    %get3A_40 = vector.shape_cast %get3A_39 : vector<1x1x1000xi32> to vector<1x1000xi32>
    %broadcast_in_dim3A = vector.shape_cast %get3A_40 : vector<1x1000xi32> to vector<1x1000xi32>
    %broadcast_in_dim3A_41 = vector.broadcast %broadcast_in_dim3A : vector<1x1000xi32> to vector<64x1000xi32>
    %eq3A_42 = arith.cmpi eq, %broadcast_in_dim3A_41, %iota3A : vector<64x1000xi32>
    %get3A_43 = arith.constant 0 : index
    %get3A_44 = arith.constant 0 : index
    %get3A_45 = arith.constant 0 : index
    %get3A_46 = vector.load %arg4[%get3A_43, %get3A_44, %get3A_45] : memref<1x1x1000xi32, #tpu.memory_space<vmem>>, vector<1x1x1000xi32>
    %get3A_47 = vector.shape_cast %get3A_46 : vector<1x1x1000xi32> to vector<1x1000xi32>
    %broadcast_in_dim3A_48 = vector.shape_cast %get3A_47 : vector<1x1000xi32> to vector<1x1000xi32>
    %broadcast_in_dim3A_49 = vector.broadcast %broadcast_in_dim3A_48 : vector<1x1000xi32> to vector<64x1000xi32>
    %eq3A_50 = arith.cmpi eq, %broadcast_in_dim3A_49, %iota3A : vector<64x1000xi32>
    %convert_element_type3A_51 = arith.extui %eq3A_42 : vector<64x1000xi1> to vector<64x1000xi32>
    %convert_element_type3A_52 = arith.sitofp %convert_element_type3A_51 : vector<64x1000xi32> to vector<64x1000xf32>
    %convert_element_type3A_53 = arith.extui %eq3A_50 : vector<64x1000xi1> to vector<64x1000xi32>
    %convert_element_type3A_54 = arith.sitofp %convert_element_type3A_53 : vector<64x1000xi32> to vector<64x1000xf32>
    %get3A_55 = arith.constant 0 : index
    %get3A_56 = arith.constant 0 : index
    %get3A_57 = vector.load %arg12[%get3A_55, %get3A_56] : memref<64x64xf32, #tpu.memory_space<vmem>>, vector<64x64xf32>
    %slice3A = vector.extract_strided_slice %add3A_35 {offsets = [0, 0], sizes = [1000, 64], strides = [1, 1]} : vector<1000x128xf32> to vector<1000x64xf32>
    %dot_general3A_58 = arith.constant dense<0.000000e+00> : vector<64x64xf32>
    %dot_general3A_59 = tpu.matmul %convert_element_type3A_52, %slice3A, %dot_general3A_58 {dimension_numbers = #tpu.dot_dimension_numbers<[1], [0], [0], [1], [0, 0, 1, 1], [], []>, transpose_lhs_hint = false} : vector<64x1000xf32>, vector<1000x64xf32>, vector<64x64xf32> -> vector<64x64xf32>
    %slice3A_60 = vector.extract_strided_slice %add3A_35 {offsets = [0, 64], sizes = [1000, 64], strides = [1, 1]} : vector<1000x128xf32> to vector<1000x64xf32>
    %dot_general3A_61 = arith.constant dense<0.000000e+00> : vector<64x64xf32>
    %dot_general3A_62 = tpu.matmul %convert_element_type3A_54, %slice3A_60, %dot_general3A_61 {dimension_numbers = #tpu.dot_dimension_numbers<[1], [0], [0], [1], [0, 0, 1, 1], [], []>, transpose_lhs_hint = false} : vector<64x1000xf32>, vector<1000x64xf32>, vector<64x64xf32> -> vector<64x64xf32>
    %add3A_63 = arith.addf %dot_general3A_59, %dot_general3A_62 : vector<64x64xf32>
    %add3A_64 = arith.addf %get3A_57, %add3A_63 : vector<64x64xf32>
    %swap3A = arith.constant 0 : index
    %swap3A_65 = arith.constant 0 : index
    %swap3A_66 = vector.load %arg12[%swap3A, %swap3A_65] : memref<64x64xf32, #tpu.memory_space<vmem>>, vector<64x64xf32>
    tpu.vector_store %arg12[%swap3A, %swap3A_65], %add3A_64 {strides = array<i32>} : memref<64x64xf32, #tpu.memory_space<vmem>>, vector<64x64xf32>,
    %get3A_67 = arith.constant 0 : index
    %get3A_68 = arith.constant 0 : index
    %get3A_69 = vector.load %arg13[%get3A_67, %get3A_68] : memref<64x1xf32, #tpu.memory_space<vmem>>, vector<64x1xf32>
    %reduce_sum3A = arith.constant dense<0.000000e+00> : vector<64xf32>
    %reduce_sum3A_70 = vector.multi_reduction <add>, %convert_element_type3A_52, %reduce_sum3A [1] : vector<64x1000xf32> to vector<64xf32>
    %broadcast_in_dim3A_71 = vector.shape_cast %reduce_sum3A_70 : vector<64xf32> to vector<64x1xf32>
    %reduce_sum3A_72 = arith.constant dense<0.000000e+00> : vector<64xf32>
    %reduce_sum3A_73 = vector.multi_reduction <add>, %convert_element_type3A_54, %reduce_sum3A_72 [1] : vector<64x1000xf32> to vector<64xf32>
    %broadcast_in_dim3A_74 = vector.shape_cast %reduce_sum3A_73 : vector<64xf32> to vector<64x1xf32>
    %add3A_75 = arith.addf %broadcast_in_dim3A_71, %broadcast_in_dim3A_74 : vector<64x1xf32>
    %add3A_76 = arith.addf %get3A_69, %add3A_75 : vector<64x1xf32>
    %swap3A_77 = arith.constant 0 : index
    %swap3A_78 = arith.constant 0 : index
    %swap3A_79 = vector.load %arg13[%swap3A_77, %swap3A_78] : memref<64x1xf32, #tpu.memory_space<vmem>>, vector<64x1xf32>
    tpu.vector_store %arg13[%swap3A_77, %swap3A_78], %add3A_76 {strides = array<i32>} : memref<64x1xf32, #tpu.memory_space<vmem>>, vector<64x1xf32>,
    %eq3A_80 = arith.constant 4 : i32
    %eq3A_81 = arith.cmpi eq, %arg0, %eq3A_80 : i32
    %convert_element_type3A_82 = arith.extui %eq3A_81 : i1 to i32
    %cond3A_83 = arith.constant 0 : i32
    %cond3A_84 = arith.cmpi ne, %convert_element_type3A_82, %cond3A_83 : i32
    scf.if %cond3A_84 {
      %get3A_85 = arith.constant 0 : index
      %get3A_86 = arith.constant 0 : index
      %get3A_87 = vector.load %arg12[%get3A_85, %get3A_86] : memref<64x64xf32, #tpu.memory_space<vmem>>, vector<64x64xf32>
      %get3A_88 = arith.constant 0 : index
      %get3A_89 = arith.constant 0 : index
      %get3A_90 = vector.load %arg13[%get3A_88, %get3A_89] : memref<64x1xf32, #tpu.memory_space<vmem>>, vector<64x1xf32>
      %max3A_91 = arith.constant 1.000000e+00 : f32
      %max3A_92 = vector.broadcast %max3A_91 : f32 to vector<64x1xf32>
      %max3A_93 = arith.maximumf %get3A_90, %max3A_92 : vector<64x1xf32>
      %div3A = vector.broadcast %max3A_93 : vector<64x1xf32> to vector<64x64xf32>
      %div3A_94 = arith.divf %get3A_87, %div3A : vector<64x64xf32>
      %get3A_95 = arith.constant 0 : index
      %get3A_96 = arith.constant 0 : index
      %get3A_97 = vector.load %arg9[%get3A_95, %get3A_96] : memref<64x6xf32, #tpu.memory_space<vmem>>, vector<64x6xf32>
      %dot_general3A_98 = arith.constant dense<0.000000e+00> : vector<64x6xf32>
      %dot_general3A_99 = tpu.matmul %div3A_94, %get3A_97, %dot_general3A_98 {dimension_numbers = #tpu.dot_dimension_numbers<[1], [0], [0], [1], [0, 0, 1, 1], [], []>, transpose_lhs_hint = false} : vector<64x64xf32>, vector<64x6xf32>, vector<64x6xf32> -> vector<64x6xf32>
      %get3A_100 = arith.constant 0 : index
      %get3A_101 = arith.constant 0 : index
      %get3A_102 = vector.load %arg10[%get3A_100, %get3A_101] : memref<1x6xf32, #tpu.memory_space<vmem>>, vector<1x6xf32>
      %add3A_103 = vector.broadcast %get3A_102 : vector<1x6xf32> to vector<64x6xf32>
      %add3A_104 = arith.addf %dot_general3A_99, %add3A_103 : vector<64x6xf32>
      %swap3A_105 = arith.constant 0 : index
      %swap3A_106 = arith.constant 0 : index
      %swap3A_107 = vector.load %arg11[%swap3A_105, %swap3A_106] : memref<64x6xf32, #tpu.memory_space<vmem>>, vector<64x6xf32>
      tpu.vector_store %arg11[%swap3A_105, %swap3A_106], %add3A_104 {strides = array<i32>} : memref<64x6xf32, #tpu.memory_space<vmem>>, vector<64x6xf32>,
    } else {
    }
    return
  }
  func.func @transform_0(%arg0: i32) -> (i32, i32) {
    %c0_i32 = arith.constant 0 : i32
    %c0_i32_0 = arith.constant 0 : i32
    return %arg0, %c0_i32 : i32, i32
  }
  func.func @transform_1(%arg0: i32) -> (i32, i32, i32) {
    %c0_i32 = arith.constant 0 : i32
    %c0_i32_0 = arith.constant 0 : i32
    %c0_i32_1 = arith.constant 0 : i32
    return %c0_i32, %arg0, %c0_i32_0 : i32, i32, i32
  }
  func.func @transform_2(%arg0: i32) -> (i32, i32, i32) {
    %c0_i32 = arith.constant 0 : i32
    %c0_i32_0 = arith.constant 0 : i32
    %c0_i32_1 = arith.constant 0 : i32
    return %arg0, %c0_i32, %c0_i32_0 : i32, i32, i32
  }
  func.func @transform_3(%arg0: i32) -> (i32, i32, i32) {
    %c0_i32 = arith.constant 0 : i32
    %c0_i32_0 = arith.constant 0 : i32
    %c0_i32_1 = arith.constant 0 : i32
    return %arg0, %c0_i32, %c0_i32_0 : i32, i32, i32
  }
  func.func @transform_4(%arg0: i32) -> (i32, i32) {
    %c0_i32 = arith.constant 0 : i32
    %c0_i32_0 = arith.constant 0 : i32
    %c0_i32_1 = arith.constant 0 : i32
    return %c0_i32, %c0_i32_0 : i32, i32
  }
  func.func @transform_5(%arg0: i32) -> (i32, i32) {
    %c0_i32 = arith.constant 0 : i32
    %c0_i32_0 = arith.constant 0 : i32
    %c0_i32_1 = arith.constant 0 : i32
    return %c0_i32, %c0_i32_0 : i32, i32
  }
  func.func @transform_6(%arg0: i32) -> (i32, i32) {
    %c0_i32 = arith.constant 0 : i32
    %c0_i32_0 = arith.constant 0 : i32
    %c0_i32_1 = arith.constant 0 : i32
    return %c0_i32, %c0_i32_0 : i32, i32
  }
  func.func @transform_7(%arg0: i32) -> (i32, i32) {
    %c0_i32 = arith.constant 0 : i32
    %c0_i32_0 = arith.constant 0 : i32
    %c0_i32_1 = arith.constant 0 : i32
    return %c0_i32, %c0_i32_0 : i32, i32
  }
  func.func @transform_8(%arg0: i32) -> (i32, i32) {
    %c0_i32 = arith.constant 0 : i32
    %c0_i32_0 = arith.constant 0 : i32
    %c0_i32_1 = arith.constant 0 : i32
    return %c0_i32, %c0_i32_0 : i32, i32
  }
  func.func @transform_9(%arg0: i32) -> (i32, i32) {
    %c0_i32 = arith.constant 0 : i32
    %c0_i32_0 = arith.constant 0 : i32
    %c0_i32_1 = arith.constant 0 : i32
    return %c0_i32, %c0_i32_0 : i32, i32
  }
  func.func @transform_10(%arg0: i32) -> (i32, i32) {
    %c0_i32 = arith.constant 0 : i32
    %c0_i32_0 = arith.constant 0 : i32
    %c0_i32_1 = arith.constant 0 : i32
    return %c0_i32, %c0_i32_0 : i32, i32
  }
}

</mosaic_0001>

<sc_bundles>
// kernel: kernel.10.cloned.1.call-start
scs
__scs_entry_jumppad:
0x0: {  	(pc) =	sbr.rel $0x88, $3  }
0x1: {  	(tag) =	ssettag $0x0;
	lr =	simm.s32 $0x1  }
0x2: {  	[smem:$0x3F94] =	sst lr;
	_ =	strace $0xD0000000  }
0x3: {  	_ = 	snop  }
0x4: {  	_ = 	snop  }
0x5: {  	_ = 	snop  }
0x6: {  	_ = 	snop  }
0x7: {  	_ = 	snop  }
__scs_overlays_trampoline_lowered:
0x8: {  	[smem:$0x3FA3] =	sst s0  }
0x9: {  	[smem:$0x3FA4] =	sst s1  }
0xa: {  	[smem:$0x3FA5] =	sst s2  }
0xb: {  	[smem:$0x3FA6] =	sst s3  }
0xc: {  	[smem:$0x3FA7] =	sst s4  }
0xd: {  	[smem:$0x3FA8] =	sst s5  }
0xe: {  	[smem:$0x3FA9] =	sst s6  }
0xf: {  	[smem:$0x3FAA] =	sst s7  }
0x10: {  	[smem:$0x3FAB] =	sst s8  }
0x11: {  	[smem:$0x3FAC] =	sst s9;
	s0 =	simm.s32 @!p0 $0x0  }
0x12: {  	s1 =	sld [smem:$0x3F92];
	s0 =	simm.s32 @p0 $0x1  }
0x13: {  	[smem:$0x3FAD] =	sst s0;
	s0 =	simm.s32 @!p1 $0x0  }
0x14: {  	s2 =	sld [smem:$0x3F91];
	s0 =	simm.s32 @p1 $0x1  }
0x15: {  	[smem:$0x3FAE] =	sst s0;
	s0 =	simm.s32 @!p2 $0x0  }
0x16: {  	s3 =	sld [smem:$0x3FDB];
	s0 =	simm.s32 @p2 $0x1  }
0x17: {  	s4 =	simm.s32 $0x1BF5;
	[smem:$0x3FB0] =	sst s0  }
0x18: {  	s0 =	sld [smem:$0x3F93];
	_ =	swait.ge [sflag:s4], $0x0  }
0x19: {  	s7 =	sld [smem:$0x3F94]  }
0x1a: {  	s8 =	sadd.s32 $0xFFFFE003, lr  }
0x1b: {  	s9 =	sadd.s32 $0xFFFFFEF7, lr;
	s5 =	simm.s32 $0xFFFFFFFF;
	p2 =	slt.u32 s8, $0xFFFFF086  }
0x1c: {  	p1 =	slt.u32 s9, $0xF7A;
	s5 =	simm.s32 @!p2 $0x0  }
0x1d: {  	s5 =	simm.s32 @p1 $0x1;
	p0 =	seq.s32 s7, s2  }
0x1e: {  	s7 =	smul.u32 @!p0 $0xF7A, s2;
	p2 =	seq.s32 @!p0 s5, $0x0  }
0x1f: {  	s9 =	smul.u32 $0xF7A, s1;
	s8 =	simm.s32 @!p0 $0x1BF5;
	p2 =	por !p2, p0  }
0x20: {  	[sflag:s8] =	ssyncset.s32 @!p0 $0xFFFFF086;
	s6 =	sadd.s32 @!p0 s3, s7;
	s7 =	simm.s32 @!p0 $0x108  }
0x21: {  	s3 =	sadd.s32 s3, s9;
	s6 =	sadd.s32 @!p0 $0x88, s6;
	s7 =	simm.s32 @p2 $0x1082  }
0x22: {  	[simem:s7], [sflag:s8] =	dma.local @!p0 [hbm:s6], $0xF7A  }
0x23: {  	s9 =	sor.u32 $0xD0000000, s2;
	s6 =	simm.s32 $0x108;
	_ =	swait.ge @!p0 [sflag:s8], $0x0  }
0x24: {  	s3 =	sadd.s32 $0x88, s3;
	s6 =	simm.s32 @!p1 $0x1082;
	[sflag:s4] =	ssyncset.s32 $0xFFFFF086  }
0x25: {  	[simem:s6], [sflag:s4] =	dma.local [hbm:s3], $0xF7A  }
0x26: {  	[smem:$0x3F94] =	sst s1;
	(tag) =	ssettag s2;
	_ =	strace s9  }
0x27: {  	s1 =	sld [smem:$0x3FA4]  }
0x28: {  	s2 =	sld [smem:$0x3FA5]  }
0x29: {  	s4 =	sld [smem:$0x3FA7]  }
0x2a: {  	p0 =	seq.s32 s5, $0x0;
	s5 =	sld [smem:$0x3FA8]  }
0x2b: {  	s6 =	sld [smem:$0x3FA9]  }
0x2c: {  	s7 =	sld [smem:$0x3FAA]  }
0x2d: {  	s3 =	simm.s32 $0x108;
	s8 =	sld [smem:$0x3FAB]  }
0x2e: {  	s3 =	simm.s32 @!p0 $0x1082;
	s9 =	sld [smem:$0x3FAC]  }
0x2f: {  	lr =	sadd.s32 s0, s3;
	s0 =	sld [smem:$0x3FA3]  }
0x30: {  	s3 =	sld [smem:$0x3FA6]  }
0x31: {  	[smem:$0x3FAF] =	sst s10  }
0x32: {  	s10 =	sld [smem:$0x3FAD];
	_ =	sdelay $0x3  }
0x33: {  	p0 =	seq.s32 s10, $0x1;
	s10 =	sld [smem:$0x3FAF];
	_ =	sdelay $0x3  }
0x34: {  	[smem:$0x3FAF] =	sst s10  }
0x35: {  	s10 =	sld [smem:$0x3FAE];
	_ =	sdelay $0x3  }
0x36: {  	p1 =	seq.s32 s10, $0x1;
	s10 =	sld [smem:$0x3FAF];
	_ =	sdelay $0x3  }
0x37: {  	[smem:$0x3FAF] =	sst s10  }
0x38: {  	s10 =	sld [smem:$0x3FB0]  }
0x39: {  	_ = 	snop;
	(pc) =	sbr.ind lr, $3  }
0x3a: {  	_ = 	snop  }
0x3b: {  	_ = 	snop  }
0x3c: {  	p2 =	seq.s32 s10, $0x1;
	s10 =	sld [smem:$0x3FAF]  }
0x3d: {  	_ =	shalt  }
0x3e: {  	_ =	shalt  }
0x3f: {  	_ =	shalt  }
0x40: {  	_ =	shalt  }
0x41: {  	_ =	shalt  }
0x42: {  	_ =	shalt  }
0x43: {  	_ =	shalt  }
0x44: {  	_ =	shalt  }
0x45: {  	_ =	shalt  }
0x46: {  	_ =	shalt  }
0x47: {  	_ =	shalt  }
0x48: {  	_ =	shalt  }
0x49: {  	_ =	shalt  }
0x4a: {  	_ =	shalt  }
0x4b: {  	_ =	shalt  }
0x4c: {  	_ =	shalt  }
0x4d: {  	_ =	shalt  }
0x4e: {  	_ =	shalt  }
0x4f: {  	_ =	shalt  }
0x50: {  	_ =	shalt  }
0x51: {  	_ =	shalt  }
0x52: {  	_ =	shalt  }
0x53: {  	_ =	shalt  }
0x54: {  	_ =	shalt  }
0x55: {  	_ =	shalt  }
0x56: {  	_ =	shalt  }
0x57: {  	_ =	shalt  }
0x58: {  	_ =	shalt  }
0x59: {  	_ =	shalt  }
0x5a: {  	_ =	shalt  }
0x5b: {  	_ =	shalt  }
0x5c: {  	_ =	shalt  }
0x5d: {  	_ =	shalt  }
0x5e: {  	_ =	shalt  }
0x5f: {  	_ =	shalt  }
0x60: {  	_ =	shalt  }
0x61: {  	_ =	shalt  }
0x62: {  	_ =	shalt  }
0x63: {  	_ =	shalt  }
0x64: {  	_ =	shalt  }
0x65: {  	_ =	shalt  }
0x66: {  	_ =	shalt  }
0x67: {  	_ =	shalt  }
0x68: {  	_ =	shalt  }
0x69: {  	_ =	shalt  }
0x6a: {  	_ =	shalt  }
0x6b: {  	_ =	shalt  }
0x6c: {  	_ =	shalt  }
0x6d: {  	_ =	shalt  }
0x6e: {  	_ =	shalt  }
0x6f: {  	_ =	shalt  }
0x70: {  	_ =	shalt  }
0x71: {  	_ =	shalt  }
0x72: {  	_ =	shalt  }
0x73: {  	_ =	shalt  }
0x74: {  	_ =	shalt  }
0x75: {  	_ =	shalt  }
0x76: {  	_ =	shalt  }
0x77: {  	_ =	shalt  }
0x78: {  	_ =	shalt  }
0x79: {  	_ =	shalt  }
0x7a: {  	_ =	shalt  }
0x7b: {  	_ =	shalt  }
0x7c: {  	_ =	shalt  }
0x7d: {  	_ =	shalt  }
0x7e: {  	_ =	shalt  }
0x7f: {  	_ =	shalt  }
0x80: {  	_ =	shalt  }
0x81: {  	_ =	shalt  }
0x82: {  	_ =	shalt  }
0x83: {  	_ =	shalt  }
0x84: {  	_ =	shalt  }
0x85: {  	_ =	shalt  }
0x86: {  	_ =	shalt  }
0x87: {  	_ =	shalt  }
.Lfunc_end0:
.L_simem_size_0:
called_computation.1_lowered:
.L_overlay_start_0:
0x88: {  	s2 =	sld [smem:$0x3FD9]  }
0x89: {  	s3 =	sld [smem:$0x3FFE];
	_ =	sdelay $0x1  }
0x8a: {  	s1 =	srdreg.scid  }
0x8b: {  	s0 =	sand.u32 $0x1, s1  }
0x8c: {  	s16 =	sshll.u32 s0, $0xA;
	s2 =	sadd.s32 s3, s2  }
0x8d: {  	s2 =	sadd.s32 s2, s16  }
0x8e: {  	[smem:$0x3FBB] =	sst s2  }
0x8f: {  	_ = 	snop  }
0x90: {  	(tm) =	ssettm $0x1  }
0x91: {  	s17 =	sld [smem:$0x3FFB];
	_ =	sdelay $0x3  }
0x92: {  	_ =	strace s17  }
0x93: {  	s2 =	sld [smem:$0x3FFC];
	_ =	sdelay $0x3  }
0x94: {  	_ =	strace s2  }
0x95: {  	s2 =	sld [smem:$0x3FFD];
	_ =	sdelay $0x3  }
0x96: {  	_ =	strace s2  }
0x97: {  	_ =	strace $0x8FFFFFFF  }
0x98: {  	s18 =	sld [smem:$0x3FDB];
	_ =	sdelay $0x1  }
0x99: {  	s19 =	simm.s32 $_scs_section_size  }
0x9a: {  	s4 =	simm.s32 $_size__tile_overlayer_lowered;
	s5 =	simm.s32 $_tile_overlayer_lowered  }
0x9b: {  	s22 =	simm.s32 $0x1BFF;
	s21 =	sshll.u32 s5, $0x1;
	s2 =	sadd.s32 s19, s18  }
0x9c: {  	s6 =	simm.s32 $0x0;
	s20 =	sshll.u32 s4, $0x1;
	s4 =	sadd.s32 s21, s2  }
0x9d: {  	[timem:s6], [sflag:s22] =	dma.local [hbm:s4], s20  }
0x9e: {  	_ =	swait.ge [sflag:s22], s20  }
0x9f: {  	s3 =	ssub.s32 $0x0, s20;
	[sflag:s22] =	ssyncset.done $0x0  }
0xa0: {  	[sflag:s22] =	ssyncadd.s32 s3;
	_ =	sdelay $0x1  }
0xa1: {  	s23 =	simm.s32 $0x1B8B  }
0xa2: {  	_ =	swait.ge [sflag:s23], $0x1  }
0xa3: {  	[sflag:s23] =	ssyncset.done $0x0  }
0xa4: {  	s25 =	simm.s32 $0x1B8E;
	s24 =	sld [smem:$0x3FFE];
	[sflag:s23] =	ssyncadd.s32 $0xFFFFFFFF  }
0xa5: {  	s26 =	simm.s32 $execute0_lowered;
	[smem:$0x3FD2] =	sst s25  }
0xa6: {  	s4 =	sshll.u32 s26, $0x1;
	_ =	strace $0x80000049;
	[dreg:$0x1] =	wrdreg $0xFFFFFFFF  }
0xa7: {  	s28 =	simm.s32 $_size_execute0_lowered;
	s2 =	sadd.s32 s2, s4;
	[dreg:$0x0] =	wrdreg $0x0  }
0xa8: {  	s4 =	sshll.u32 s28, $0x1;
	[dreg:$0x2] =	wrdreg s2  }
0xa9: {  	[dreg:$0x3] =	wrdreg s4  }
0xaa: {  	[dreg:$0x4] =	wrdreg $0xC0  }
0xab: {  	_ =	task [dreg:s6], $0x5FFFF  }
0xac: {  	[dreg:$0x1] =	wrdreg $0xFFFFFFFF  }
0xad: {  	[dreg:$0x0] =	wrdreg $0x60  }
0xae: {  	[dreg:$0x2] =	wrdreg s24  }
0xaf: {  	[dreg:$0x3] =	wrdreg $0x10F000  }
0xb0: {  	[dreg:$0x4] =	wrdreg $0x9  }
0xb1: {  	_ =	task.clear_ibuf [dreg:s6], $0x5FFFF;
	_ =	strace $0x90000049  }
0xb2: {  	s29 =	simm.s32 $0x9;
	_ =	strace $0x8000004B  }
0xb3: {  	_ =	swait.ge [sflag:s29], $0x1  }
0xb4: {  	[sflag:s29] =	ssyncadd.s32 $0xFFFFFFFF  }
0xb5: {  	_ =	strace $0x9000004B  }
0xb6: {  	_ =	sfence  }
0xb7: {  	s30 =	sld [smem:$0x0];
	_ =	sdelay $0x2  }
0xb8: {  	s31 =	sshll.u32 s1, $0xD;
	s1 =	sshrl.u32 s1, $0x2  }
0xb9: {  	s3 =	sand.u32 $0x4000, s31;
	s1 =	sadd.s32 s1, s30  }
0xba: {  	s0 =	sor.u32 s3, s0;
	s1 =	sshll.u32 s1, $0x11  }
0xbb: {  	s0 =	sor.u32 s1, s0  }
0xbc: {  	s0 =	sadd.s32 $0x8F2B, s0  }
0xbd: {  	[sflag:s0] =	ssyncadd.remote.s32 $0x1  }
0xbe: {  	_ =	sfence.sel $0xFFFF  }
0xbf: {  	[dreg:$0x0] =	wrdreg $0xFFFFFFFF;
	(pc) =	sbr.abs _section_cstart, $3  }
0xc0: {  	[dreg:$0x1] =	wrdreg $0xFFFFFFFF  }
0xc1: {  	_ =	task.clear_ibuf [dreg:s6], $0x2FFFF;
	_ =	strace $0x9FFFFFFF  }
0xc2: {  	(tm) =	ssettm $0x7FFFFFFF  }
0xc3: {  	_ =	shalt  }
tec
execute0_lowered:
.L_overlay_start_1:
0x0: {  	(tag) =	ssettag $0x1  }
0x1: {  	s0 =	rddreg [dreg:$0x0]  }
0x2: {  	s2 =	rddreg [dreg:$0x1];
	s10 =	stileid.u32  }
0x3: {  	s1 =	srdreg.scid;
	s4 =	simm.s32 $0x0;
	s12 =	simm.s32 $0x80  }
0x4: {  	s14 =	simm.s32 $0xD;
	s16 =	simm.s32 $0x4F00;
	s17 =	simm.s32 $0x6F00  }
0x5: {  	s18 =	simm.s32 $0x8F00;
	s30 =	simm.s32 $0xEF00;
	s31 =	simm.s32 $0x3  }
0x6: {  	s29 =	simm.s32 $0x8;
	s28 =	simm.s32 $0x6;
	s3 =	smul.u32 $0xA000, s10  }
0x7: {  	s1 =	sand.u32 $0x1, s1;
	[smem:$0x7FF] =	sst s4;
	s4 =	sadd.s32 $0x16C00, s0  }
0x8: {  	s7 =	sadd.s32 $0x3200, s0;
	s20 =	sshll.u32 s10, $0x5;
	s26 =	sshll.u32 s10, $0x6  }
0x9: {  	s5 =	smul.u32 $0xA0000, s1;
	_ =	strace $0x8000004A;
	s6 =	sshll.u32 s1, $0x4  }
0xa: {  	s1 =	ssub.s32 $0x2, s1;
	s22 =	sadd.s32 s20, s7;
	s20 =	simm.s32 $0xAF00  }
0xb: {  	s6 =	sor.u32 s10, s6;
	s8 =	sshrl.u32 s3, $0x3;
	s19 =	sshrl.u32 s1, $0x1  }
0xc: {  	s24 =	sadd.s32 $0x13800, s22;
	s5 =	sadd.s32 s3, s5;
	s9 =	smul.u32 $0x9C0, s6  }
0xd: {  	s8 =	sadd.s32 s8, s0;
	s1 =	ssub.s32 s1, s19;
	s3 =	sadd.s32 s3, s2  }
0xe: {  	[dreg:$0x6] =	wrdreg s24;
	p0 =	sgt.u32 s6, $0x3;
	s24 =	simm.s32 $0x4  }
0xf: {  	s19 =	simm.s32 $0x5;
	s6 =	simm.s32 $0xB;
	s5 =	sshrl.u32 s5, $0x3  }
0x10: {  	s23 =	sadd.s32 $0x2A600, s8;
	s25 =	smax.u32 s1, $0x1;
	s1 =	simm.s32 $0x7  }
0x11: {  	s8 =	simm.s32 $0x0;
	s0 =	sadd.s32 s5, s0;
	[dreg:$0x5] =	wrdreg s23  }
0x12: {  	s11 =	sadd.s32 s7, s9;
	s5 =	sadd.s32 $0x13810, s22;
	[dreg:$0x9] =	wrdreg s25  }
.Ltmp0:
0x13: {  	s22 =	sshrl.u32 s3, $0x3;
	[dreg:$0x3] =	wrdreg s11;
	(pc) =	sbr.rel .LBB2_1-.Ltmp0, $4  }
0x14: {  	s23 =	simm.s32 $0x1;
	s21 =	sadd.s32 $0x10, s11;
	[dreg:$0x7] =	wrdreg s5  }
0x15: {  	s25 =	simm.s32 $0xCF00;
	s0 =	sadd.s32 $0x3E600, s0;
	[dreg:$0x4] =	wrdreg s21  }
0x16: {  	s3 =	simm.s32 $0xA;
	s7 =	simm.s32 $0xC;
	[dreg:$0x8] =	wrdreg s0  }
0x17: {  	s21 =	sor.u32 $0x1C0D, s26;
	s26 =	simm.s32 $0x2;
	s0 =	simm.s32 $0x9  }
.LBB2_4:
0x18: {  	_ =	swait.ge [sflag:s28], $0x2000  }
0x19: {  	[sflag:s28] =	ssyncset.done $0x0  }
0x1a: {  	[sflag:s28] =	ssyncadd.s32 $0xFFFFE000  }
0x1b: {  	[spmem:s2] =	stream.indirect.scatter.add.f32 [tilespmem:s30], [sflag:$0xC], $0x40, s10, s12, $0xb8;
	[tilespmem:$0x1AF00] =	vst v63  }
0x1c: {  	_ =	swait.ge [sflag:s3], $0x2000  }
0x1d: {  	[sflag:s3] =	ssyncset.done $0x0  }
0x1e: {  	[sflag:s3] =	ssyncadd.s32 $0xFFFFE000  }
0x1f: {  	_ =	swait.ge [sflag:s6], $0x2000  }
0x20: {  	[sflag:s6] =	ssyncset.done $0x0  }
0x21: {  	[sflag:s6] =	ssyncadd.s32 $0xFFFFE000  }
0x22: {  	_ =	swait.ge [sflag:s7], $0x2000  }
0x23: {  	s5 =	simm.s32 @!p0 $0x0;
	[sflag:s7] =	ssyncset.done $0x0  }
0x24: {  	s9 =	simm.s32 @!p0 $0x4E00;
	s10 =	rddreg [dreg:$0x6];
	[sflag:s7] =	ssyncadd.s32 $0xFFFFE000  }
0x25: {  	[tilespmem:s9], [sflag:$0xD] =	stream.linear.gather @!p0 [hbm4b:s10+s5], $0x80, $0x38;
	[tilespmem:$0x1AF00] =	vst v63  }
0x26: {  	s10 =	simm.s32 @!p0 $0xD  }
0x27: {  	_ =	swait.ge @!p0 [sflag:s10], $0x80  }
0x28: {  	[sflag:s10] =	ssyncset.done @!p0 $0x0  }
0x29: {  	s11 =	simm.s32 @!p0 $0x4E80;
	s13 =	rddreg [dreg:$0x7];
	[sflag:s10] =	ssyncadd.s32 @!p0 $0xFFFFFF80  }
0x2a: {  	[tilespmem:s11], [sflag:$0xD] =	stream.linear.gather @!p0 [hbm4b:s13+s5], $0x80, $0x38;
	[tilespmem:$0x1AF00] =	vst v63  }
0x2b: {  	_ =	swait.ge @!p0 [sflag:s10], $0x80  }
0x2c: {  	[sflag:s10] =	ssyncset.done @!p0 $0x0  }
0x2d: {  	s5 =	simm.s32 @!p0 $0x80;
	s13 =	simm.s32 @!p0 $0x4F00;
	[sflag:s10] =	ssyncadd.s32 @!p0 $0xFFFFFF80  }
0x2e: {  	[tilespmem:s13], [sflag:$0x1] =	stream.indirect.gather @!p0 [hbm4b:s4+s5], $0x40, s9, s5, $0xb8;
	[tilespmem:$0x1AF00] =	vst v63  }
0x2f: {  	s9 =	simm.s32 @!p0 $0x1  }
0x30: {  	_ =	swait.ge @!p0 [sflag:s9], $0x2000  }
0x31: {  	[sflag:s9] =	ssyncset.done @!p0 $0x0  }
0x32: {  	[sflag:s9] =	ssyncadd.s32 @!p0 $0xFFFFE000  }
0x33: {  	[spmem:s2] =	stream.indirect.scatter.add.f32 @!p0 [tilespmem:s13], [sflag:$0xD], $0x40, s11, s5, $0xb8;
	[tilespmem:$0x1AF00] =	vst v63  }
0x34: {  	_ =	swait.ge @!p0 [sflag:s10], $0x2000  }
0x35: {  	[sflag:s10] =	ssyncset.done @!p0 $0x0  }
0x36: {  	[sflag:s10] =	ssyncadd.s32 @!p0 $0xFFFFE000  }
0x37: {  	[bflag:$0x0] =	sbarrier.arrive $0xFFFF  }
0x38: {  	s13 =	rddreg [dreg:$0x8]  }
0x39: {  	[hbm:s13], [sflag:s21] =	dma.local [spmem:s22], $0x1400  }
0x3a: {  	_ =	swait.ge [sflag:s14], $0x1400  }
0x3b: {  	s8 =	sadd.s32 $0x1, s8;
	s15 =	rddreg [dreg:$0x9]  }
0x3c: {  	p1 =	sne.s32 s8, s15  }
.Ltmp1:
0x3d: {  	_ = 	snop;
	(pc) =	sbr.rel @!p1 .LBB2_5-.Ltmp1, $3  }
0x3e: {  	_ =	sdelay $0x1  }
0x3f: {  	[sflag:s14] =	ssyncset.done $0x0  }
0x40: {  	[sflag:s14] =	ssyncadd.s32 $0xFFFFEC00  }
.LBB2_1:
0x41: {  	s5 =	simm.s32 $0x0;
	s9 =	rddreg [dreg:$0x3];
	s10 =	simm.s32 $0x100  }
0x42: {  	[tilespmem:s5], [sflag:$0xD] =	stream.strided.gather [hbm4b:s9+s12], $0x2700, s10, s12, $0x38;
	[tilespmem:$0x1AF00] =	vst v63  }
0x43: {  	_ =	swait.ge [sflag:s14], $0x2700  }
0x44: {  	[sflag:s14] =	ssyncset.done $0x0  }
0x45: {  	s11 =	simm.s32 $0x2700;
	s15 =	rddreg [dreg:$0x4];
	[sflag:s14] =	ssyncadd.s32 $0xFFFFD900  }
0x46: {  	[tilespmem:s11], [sflag:$0xD] =	stream.strided.gather [hbm4b:s15+s12], $0x2700, s10, s12, $0x38;
	[tilespmem:$0x1AF00] =	vst v63  }
0x47: {  	_ =	swait.ge [sflag:s14], $0x2700  }
0x48: {  	[sflag:s14] =	ssyncset.done $0x0  }
0x49: {  	[sflag:s14] =	ssyncadd.s32 $0xFFFFD900  }
0x4a: {  	[tilespmem:s16], [sflag:$0x1] =	stream.indirect.gather [hbm4b:s4+s12], $0x40, s5, s12, $0xb8;
	[tilespmem:$0x1AF00] =	vst v63  }
0x4b: {  	_ = 	snop  }
0x4c: {  	[tilespmem:s17], [sflag:$0x2] =	stream.indirect.gather [hbm4b:s4+s12], $0x40, s12, s12, $0xb8;
	[tilespmem:$0x1AF00] =	vst v63  }
0x4d: {  	_ = 	snop  }
0x4e: {  	[tilespmem:s18], [sflag:$0x3] =	stream.indirect.gather [hbm4b:s4+s12], $0x40, s10, s12, $0xb8;
	[tilespmem:$0x1AF00] =	vst v63  }
0x4f: {  	s13 =	rddreg [dreg:$0x5];
	s10 =	simm.s32 $0x180  }
0x50: {  	[tilespmem:s20], [sflag:$0x4] =	stream.indirect.gather [hbm4b:s4+s12], $0x40, s10, s12, $0xb8;
	[tilespmem:$0x1AF00] =	vst v63  }
0x51: {  	[spmem:s22], [sflag:s21] =	dma.local [hbm:s13], $0x1400  }
0x52: {  	_ =	swait.ge [sflag:s14], $0x1400  }
0x53: {  	[sflag:s14] =	ssyncset.done $0x0  }
0x54: {  	[sflag:s14] =	ssyncadd.s32 $0xFFFFEC00  }
0x55: {  	[bflag:$0x0] =	sbarrier.arrive $0xFFFF  }
0x56: {  	_ =	swait.ge [sflag:s23], $0x2000  }
0x57: {  	[sflag:s23] =	ssyncset.done $0x0  }
0x58: {  	[sflag:s23] =	ssyncadd.s32 $0xFFFFE000  }
0x59: {  	[spmem:s2] =	stream.indirect.scatter.add.f32 [tilespmem:s16], [sflag:$0x7], $0x40, s11, s12, $0xb8;
	[tilespmem:$0x1AF00] =	vst v63  }
0x5a: {  	s15 =	simm.s32 $0x200  }
0x5b: {  	[tilespmem:s25], [sflag:$0x5] =	stream.indirect.gather [hbm4b:s4+s12], $0x40, s15, s12, $0xb8;
	[tilespmem:$0x1AF00] =	vst v63  }
0x5c: {  	_ =	swait.ge [sflag:s26], $0x2000  }
0x5d: {  	[sflag:s26] =	ssyncset.done $0x0  }
0x5e: {  	s9 =	simm.s32 $0x2780;
	[sflag:s26] =	ssyncadd.s32 $0xFFFFE000  }
0x5f: {  	[spmem:s2] =	stream.indirect.scatter.add.f32 [tilespmem:s17], [sflag:$0x8], $0x40, s9, s12, $0xb8;
	[tilespmem:$0x1AF00] =	vst v63  }
0x60: {  	s10 =	simm.s32 $0x280  }
0x61: {  	[tilespmem:s30], [sflag:$0x6] =	stream.indirect.gather [hbm4b:s4+s12], $0x40, s10, s12, $0xb8;
	[tilespmem:$0x1AF00] =	vst v63  }
0x62: {  	_ =	swait.ge [sflag:s31], $0x2000  }
0x63: {  	[sflag:s31] =	ssyncset.done $0x0  }
0x64: {  	s11 =	simm.s32 $0x2800;
	[sflag:s31] =	ssyncadd.s32 $0xFFFFE000  }
0x65: {  	[spmem:s2] =	stream.indirect.scatter.add.f32 [tilespmem:s18], [sflag:$0x9], $0x40, s11, s12, $0xb8;
	[tilespmem:$0x1AF00] =	vst v63  }
0x66: {  	_ =	swait.ge [sflag:s1], $0x2000  }
0x67: {  	[sflag:s1] =	ssyncset.done $0x0  }
0x68: {  	s13 =	simm.s32 $0x300;
	[sflag:s1] =	ssyncadd.s32 $0xFFFFE000  }
0x69: {  	[tilespmem:s16], [sflag:$0x1] =	stream.indirect.gather [hbm4b:s4+s12], $0x40, s13, s12, $0xb8;
	[tilespmem:$0x1AF00] =	vst v63  }
0x6a: {  	_ =	swait.ge [sflag:s24], $0x2000  }
0x6b: {  	[sflag:s24] =	ssyncset.done $0x0  }
0x6c: {  	s15 =	simm.s32 $0x2880;
	[sflag:s24] =	ssyncadd.s32 $0xFFFFE000  }
0x6d: {  	[spmem:s2] =	stream.indirect.scatter.add.f32 [tilespmem:s20], [sflag:$0xA], $0x40, s15, s12, $0xb8;
	[tilespmem:$0x1AF00] =	vst v63  }
0x6e: {  	_ =	swait.ge [sflag:s29], $0x2000  }
0x6f: {  	[sflag:s29] =	ssyncset.done $0x0  }
0x70: {  	s9 =	simm.s32 $0x380;
	[sflag:s29] =	ssyncadd.s32 $0xFFFFE000  }
0x71: {  	[tilespmem:s17], [sflag:$0x2] =	stream.indirect.gather [hbm4b:s4+s12], $0x40, s9, s12, $0xb8;
	[tilespmem:$0x1AF00] =	vst v63  }
0x72: {  	_ =	swait.ge [sflag:s19], $0x2000  }
0x73: {  	[sflag:s19] =	ssyncset.done $0x0  }
0x74: {  	s10 =	simm.s32 $0x2900;
	[sflag:s19] =	ssyncadd.s32 $0xFFFFE000  }
0x75: {  	[spmem:s2] =	stream.indirect.scatter.add.f32 [tilespmem:s25], [sflag:$0xB], $0x40, s10, s12, $0xb8;
	[tilespmem:$0x1AF00] =	vst v63  }
0x76: {  	_ =	swait.ge [sflag:s0], $0x2000  }
0x77: {  	[sflag:s0] =	ssyncset.done $0x0  }
0x78: {  	s11 =	simm.s32 $0x400;
	[sflag:s0] =	ssyncadd.s32 $0xFFFFE000  }
0x79: {  	[tilespmem:s18], [sflag:$0x3] =	stream.indirect.gather [hbm4b:s4+s12], $0x40, s11, s12, $0xb8;
	[tilespmem:$0x1AF00] =	vst v63  }
0x7a: {  	_ =	swait.ge [sflag:s28], $0x2000  }
0x7b: {  	[sflag:s28] =	ssyncset.done $0x0  }
0x7c: {  	s13 =	simm.s32 $0x2980;
	[sflag:s28] =	ssyncadd.s32 $0xFFFFE000  }
0x7d: {  	[spmem:s2] =	stream.indirect.scatter.add.f32 [tilespmem:s30], [sflag:$0xC], $0x40, s13, s12, $0xb8;
	[tilespmem:$0x1AF00] =	vst v63  }
0x7e: {  	_ =	swait.ge [sflag:s3], $0x2000  }
0x7f: {  	[sflag:s3] =	ssyncset.done $0x0  }
0x80: {  	s5 =	simm.s32 $0x0;
	s15 =	simm.s32 $0x480;
	[sflag:s3] =	ssyncadd.s32 $0xFFFFE000  }
0x81: {  	[tilespmem:s20], [sflag:$0x4] =	stream.indirect.gather [hbm4b:s4+s12], $0x40, s15, s12, $0xb8;
	[tilespmem:$0x1AF00] =	vst v63  }
.LBB2_2:
0x82: {  	_ =	swait.ge [sflag:s23], $0x2000  }
0x83: {  	s9 =	sshra.s32 s5, $0x2;
	[sflag:s23] =	ssyncset.done $0x0  }
0x84: {  	s10 =	sadd.s32 $0x2A00, s9;
	[sflag:s23] =	ssyncadd.s32 $0xFFFFE000  }
0x85: {  	[spmem:s2] =	stream.indirect.scatter.add.f32 [tilespmem:s16], [sflag:$0x7], $0x40, s10, s12, $0xb8;
	[tilespmem:$0x1AF00] =	vst v63  }
0x86: {  	_ =	swait.ge [sflag:s6], $0x2000  }
0x87: {  	[sflag:s6] =	ssyncset.done $0x0  }
0x88: {  	s13 =	sadd.s32 $0x500, s9;
	[sflag:s6] =	ssyncadd.s32 $0xFFFFE000  }
0x89: {  	[tilespmem:s25], [sflag:$0x5] =	stream.indirect.gather [hbm4b:s4+s12], $0x40, s13, s12, $0xb8;
	[tilespmem:$0x1AF00] =	vst v63  }
0x8a: {  	_ =	swait.ge [sflag:s26], $0x2000  }
0x8b: {  	[sflag:s26] =	ssyncset.done $0x0  }
0x8c: {  	s15 =	sadd.s32 $0x2A80, s9;
	[sflag:s26] =	ssyncadd.s32 $0xFFFFE000  }
0x8d: {  	[spmem:s2] =	stream.indirect.scatter.add.f32 [tilespmem:s17], [sflag:$0x8], $0x40, s15, s12, $0xb8;
	[tilespmem:$0x1AF00] =	vst v63  }
0x8e: {  	_ =	swait.ge [sflag:s7], $0x2000  }
0x8f: {  	[sflag:s7] =	ssyncset.done $0x0  }
0x90: {  	s11 =	sadd.s32 $0x580, s9;
	[sflag:s7] =	ssyncadd.s32 $0xFFFFE000  }
0x91: {  	[tilespmem:s30], [sflag:$0x6] =	stream.indirect.gather [hbm4b:s4+s12], $0x40, s11, s12, $0xb8;
	[tilespmem:$0x1AF00] =	vst v63  }
0x92: {  	_ =	swait.ge [sflag:s31], $0x2000  }
0x93: {  	[sflag:s31] =	ssyncset.done $0x0  }
0x94: {  	s13 =	sadd.s32 $0x2B00, s9;
	[sflag:s31] =	ssyncadd.s32 $0xFFFFE000  }
0x95: {  	[spmem:s2] =	stream.indirect.scatter.add.f32 [tilespmem:s18], [sflag:$0x9], $0x40, s13, s12, $0xb8;
	[tilespmem:$0x1AF00] =	vst v63  }
0x96: {  	_ =	swait.ge [sflag:s1], $0x2000  }
0x97: {  	p1 =	seq.s32 s5, $0x8400;
	[sflag:s1] =	ssyncset.done $0x0  }
0x98: {  	s10 =	simm.s32 @p1 $0x4;
	[sflag:s1] =	ssyncadd.s32 $0xFFFFE000  }
0x99: {  	_ =	swait.ge @p1 [sflag:s10], $0x2000  }
0x9a: {  	[sflag:s10] =	ssyncset.done @p1 $0x0  }
0x9b: {  	[sflag:s10] =	ssyncadd.s32 @p1 $0xFFFFE000;
	s10 =	sshra.s32 @p1 s5, $0x2  }
0x9c: {  	s15 =	simm.s32 @p1 $0xAF00;
	s11 =	simm.s32 @p1 $0x80;
	s10 =	sadd.s32 @p1 $0x2B80, s10  }
0x9d: {  	[spmem:s2] =	stream.indirect.scatter.add.f32 @p1 [tilespmem:s15], [sflag:$0xA], $0x40, s10, s11, $0xb8;
	[tilespmem:$0x1AF00] =	vst v63  }
0x9e: {  	s10 =	simm.s32 @p1 $0x8  }
0x9f: {  	_ =	swait.ge @p1 [sflag:s10], $0x2000  }
0xa0: {  	[sflag:s10] =	ssyncset.done @p1 $0x0  }
0xa1: {  	[sflag:s10] =	ssyncadd.s32 @p1 $0xFFFFE000;
	s10 =	sshra.s32 @!p1 s5, $0x2  }
0xa2: {  	s13 =	simm.s32 @!p1 $0x4F00;
	s15 =	simm.s32 @!p1 $0x80;
	s11 =	sadd.s32 @!p1 $0x600, s10  }
0xa3: {  	[tilespmem:s13], [sflag:$0x1] =	stream.indirect.gather @!p1 [hbm4b:s4+s15], $0x40, s11, s15, $0xb8;
	[tilespmem:$0x1AF00] =	vst v63  }
0xa4: {  	s11 =	simm.s32 @!p1 $0x4  }
0xa5: {  	_ =	swait.ge @!p1 [sflag:s11], $0x2000  }
0xa6: {  	[sflag:s11] =	ssyncset.done @!p1 $0x0  }
0xa7: {  	s13 =	simm.s32 @!p1 $0xAF00;
	[sflag:s11] =	ssyncadd.s32 @!p1 $0xFFFFE000;
	s11 =	sadd.s32 @!p1 $0x2B80, s10  }
0xa8: {  	[spmem:s2] =	stream.indirect.scatter.add.f32 @!p1 [tilespmem:s13], [sflag:$0xA], $0x40, s11, s15, $0xb8;
	[tilespmem:$0x1AF00] =	vst v63  }
0xa9: {  	s11 =	simm.s32 @!p1 $0x8  }
0xaa: {  	_ =	swait.ge @!p1 [sflag:s11], $0x2000  }
0xab: {  	[sflag:s11] =	ssyncset.done @!p1 $0x0  }
0xac: {  	s10 =	sadd.s32 @!p1 $0x680, s10;
	[sflag:s11] =	ssyncadd.s32 @!p1 $0xFFFFE000;
	s11 =	simm.s32 @!p1 $0x6F00  }
0xad: {  	[tilespmem:s11], [sflag:$0x2] =	stream.indirect.gather @!p1 [hbm4b:s4+s15], $0x40, s10, s15, $0xb8;
	[tilespmem:$0x1AF00] =	vst v63  }
0xae: {  	_ =	swait.ge [sflag:s19], $0x2000  }
0xaf: {  	[sflag:s19] =	ssyncset.done $0x0  }
.Ltmp2:
0xb0: {  	s15 =	sadd.s32 $0x2C00, s9;
	[sflag:s19] =	ssyncadd.s32 $0xFFFFE000;
	(pc) =	sbr.rel @p1 .LBB2_4-.Ltmp2, $4  }
0xb1: {  	[spmem:s2] =	stream.indirect.scatter.add.f32 [tilespmem:s25], [sflag:$0xB], $0x40, s15, s12, $0xb8;
	[tilespmem:$0x1AF00] =	vst v63  }
0xb2: {  	_ =	swait.ge [sflag:s0], $0x2000  }
0xb3: {  	[sflag:s0] =	ssyncset.done $0x0  }
0xb4: {  	s10 =	sadd.s32 $0x2C80, s9;
	[sflag:s0] =	ssyncadd.s32 $0xFFFFE000  }
0xb5: {  	s11 =	sadd.s32 $0x700, s9  }
0xb6: {  	[tilespmem:s18], [sflag:$0x3] =	stream.indirect.gather [hbm4b:s4+s12], $0x40, s11, s12, $0xb8;
	[tilespmem:$0x1AF00] =	vst v63  }
0xb7: {  	_ =	swait.ge [sflag:s28], $0x2000  }
0xb8: {  	[sflag:s28] =	ssyncset.done $0x0  }
0xb9: {  	[sflag:s28] =	ssyncadd.s32 $0xFFFFE000  }
0xba: {  	[spmem:s2] =	stream.indirect.scatter.add.f32 [tilespmem:s30], [sflag:$0xC], $0x40, s10, s12, $0xb8;
	[tilespmem:$0x1AF00] =	vst v63  }
.Ltmp3:
0xbb: {  	_ = 	snop;
	(pc) =	sbr.rel .LBB2_2-.Ltmp3, $4  }
0xbc: {  	_ =	swait.ge [sflag:s3], $0x2000  }
0xbd: {  	[sflag:s3] =	ssyncset.done $0x0  }
0xbe: {  	s15 =	sadd.s32 $0x780, s9;
	s5 =	sadd.s32 $0xC00, s5;
	[sflag:s3] =	ssyncadd.s32 $0xFFFFE000  }
0xbf: {  	[tilespmem:s20], [sflag:$0x4] =	stream.indirect.gather [hbm4b:s4+s12], $0x40, s15, s12, $0xb8;
	[tilespmem:$0x1AF00] =	vst v63  }
.LBB2_5:
0xc0: {  	_ =	sfence.sel $0x180000  }
0xc1: {  	[bflag:$0x0] =	sbarrier.arrive $0xFFFF  }
0xc2: {  	_ =	strace $0x9000004A  }
0xc3: {  	s0 =	stileid.u32;
	[bflag:$0x2] =	sbarrier.arrive $0xFFFF  }
0xc4: {  	p0 =	sne.s32 s0, $0x0;
	s0 =	rddreg [dreg:$0x2]  }
0xc5: {  	s0 =	sadd.s32 @!p0 $0x100000, s0  }
0xc6: {  	[sflag:s0] =	ssyncadd.tile.s32 @!p0 $0x1;
	_ =	shalt  }
.Lfunc_end2:
_tile_overlayer_lowered:
.L_overlay_start_2:
0xc7: {  	(tag) =	ssettag $0x2  }
0xc8: {  	s0 =	rddreg [dreg:$0x0];
	s2 =	stileid.u32  }
0xc9: {  	s1 =	rddreg [dreg:$0x1];
	p0 =	sne.s32 s2, $0x0  }
0xca: {  	s3 =	rddreg [dreg:$0x2];
	[bflag:$0x3] =	sbarrier.arrive $0xFFFF;
	s2 =	simm.s32 @!p0 $0x1C0D  }
0xcb: {  	[timem:s3], [sflag:s2] =	dma.local @!p0 [hbm:s0], s1  }
0xcc: {  	s0 =	simm.s32 @!p0 $0xD  }
0xcd: {  	_ =	swait.ge @!p0 [sflag:s0], s1  }
0xce: {  	s1 =	ssub.s32 @!p0 $0x0, s1;
	[sflag:s0] =	ssyncset.done @!p0 $0x0  }
0xcf: {  	[sflag:s0] =	ssyncadd.s32 @!p0 s1  }
0xd0: {  	[bflag:$0x3] =	sbarrier.arrive $0xFFFF  }
0xd1: {  	_ =	shalt  }

// kernel: kernel.7.cloned.1.call-start
scs
__scs_entry_jumppad:
0x0: {  	(pc) =	sbr.rel $0x88, $3  }
0x1: {  	(tag) =	ssettag $0x0;
	lr =	simm.s32 $0x1  }
0x2: {  	[smem:$0x3F94] =	sst lr;
	_ =	strace $0xD0000000  }
0x3: {  	_ = 	snop  }
0x4: {  	_ = 	snop  }
0x5: {  	_ = 	snop  }
0x6: {  	_ = 	snop  }
0x7: {  	_ = 	snop  }
__scs_overlays_trampoline_lowered:
0x8: {  	[smem:$0x3FA3] =	sst s0  }
0x9: {  	[smem:$0x3FA4] =	sst s1  }
0xa: {  	[smem:$0x3FA5] =	sst s2  }
0xb: {  	[smem:$0x3FA6] =	sst s3  }
0xc: {  	[smem:$0x3FA7] =	sst s4  }
0xd: {  	[smem:$0x3FA8] =	sst s5  }
0xe: {  	[smem:$0x3FA9] =	sst s6  }
0xf: {  	[smem:$0x3FAA] =	sst s7  }
0x10: {  	[smem:$0x3FAB] =	sst s8  }
0x11: {  	[smem:$0x3FAC] =	sst s9;
	s0 =	simm.s32 @!p0 $0x0  }
0x12: {  	s1 =	sld [smem:$0x3F92];
	s0 =	simm.s32 @p0 $0x1  }
0x13: {  	[smem:$0x3FAD] =	sst s0;
	s0 =	simm.s32 @!p1 $0x0  }
0x14: {  	s2 =	sld [smem:$0x3F91];
	s0 =	simm.s32 @p1 $0x1  }
0x15: {  	[smem:$0x3FAE] =	sst s0;
	s0 =	simm.s32 @!p2 $0x0  }
0x16: {  	s3 =	sld [smem:$0x3FDB];
	s0 =	simm.s32 @p2 $0x1  }
0x17: {  	s4 =	simm.s32 $0x1BF5;
	[smem:$0x3FB0] =	sst s0  }
0x18: {  	s0 =	sld [smem:$0x3F93];
	_ =	swait.ge [sflag:s4], $0x0  }
0x19: {  	s7 =	sld [smem:$0x3F94]  }
0x1a: {  	s8 =	sadd.s32 $0xFFFFE003, lr  }
0x1b: {  	s9 =	sadd.s32 $0xFFFFFEF7, lr;
	s5 =	simm.s32 $0xFFFFFFFF;
	p2 =	slt.u32 s8, $0xFFFFF086  }
0x1c: {  	p1 =	slt.u32 s9, $0xF7A;
	s5 =	simm.s32 @!p2 $0x0  }
0x1d: {  	s5 =	simm.s32 @p1 $0x1;
	p0 =	seq.s32 s7, s2  }
0x1e: {  	s7 =	smul.u32 @!p0 $0xF7A, s2;
	p2 =	seq.s32 @!p0 s5, $0x0  }
0x1f: {  	s9 =	smul.u32 $0xF7A, s1;
	s8 =	simm.s32 @!p0 $0x1BF5;
	p2 =	por !p2, p0  }
0x20: {  	[sflag:s8] =	ssyncset.s32 @!p0 $0xFFFFF086;
	s6 =	sadd.s32 @!p0 s3, s7;
	s7 =	simm.s32 @!p0 $0x108  }
0x21: {  	s3 =	sadd.s32 s3, s9;
	s6 =	sadd.s32 @!p0 $0x88, s6;
	s7 =	simm.s32 @p2 $0x1082  }
0x22: {  	[simem:s7], [sflag:s8] =	dma.local @!p0 [hbm:s6], $0xF7A  }
0x23: {  	s9 =	sor.u32 $0xD0000000, s2;
	s6 =	simm.s32 $0x108;
	_ =	swait.ge @!p0 [sflag:s8], $0x0  }
0x24: {  	s3 =	sadd.s32 $0x88, s3;
	s6 =	simm.s32 @!p1 $0x1082;
	[sflag:s4] =	ssyncset.s32 $0xFFFFF086  }
0x25: {  	[simem:s6], [sflag:s4] =	dma.local [hbm:s3], $0xF7A  }
0x26: {  	[smem:$0x3F94] =	sst s1;
	(tag) =	ssettag s2;
	_ =	strace s9  }
0x27: {  	s1 =	sld [smem:$0x3FA4]  }
0x28: {  	s2 =	sld [smem:$0x3FA5]  }
0x29: {  	s4 =	sld [smem:$0x3FA7]  }
0x2a: {  	p0 =	seq.s32 s5, $0x0;
	s5 =	sld [smem:$0x3FA8]  }
0x2b: {  	s6 =	sld [smem:$0x3FA9]  }
0x2c: {  	s7 =	sld [smem:$0x3FAA]  }
0x2d: {  	s3 =	simm.s32 $0x108;
	s8 =	sld [smem:$0x3FAB]  }
0x2e: {  	s3 =	simm.s32 @!p0 $0x1082;
	s9 =	sld [smem:$0x3FAC]  }
0x2f: {  	lr =	sadd.s32 s0, s3;
	s0 =	sld [smem:$0x3FA3]  }
0x30: {  	s3 =	sld [smem:$0x3FA6]  }
0x31: {  	[smem:$0x3FAF] =	sst s10  }
0x32: {  	s10 =	sld [smem:$0x3FAD];
	_ =	sdelay $0x3  }
0x33: {  	p0 =	seq.s32 s10, $0x1;
	s10 =	sld [smem:$0x3FAF];
	_ =	sdelay $0x3  }
0x34: {  	[smem:$0x3FAF] =	sst s10  }
0x35: {  	s10 =	sld [smem:$0x3FAE];
	_ =	sdelay $0x3  }
0x36: {  	p1 =	seq.s32 s10, $0x1;
	s10 =	sld [smem:$0x3FAF];
	_ =	sdelay $0x3  }
0x37: {  	[smem:$0x3FAF] =	sst s10  }
0x38: {  	s10 =	sld [smem:$0x3FB0]  }
0x39: {  	_ = 	snop;
	(pc) =	sbr.ind lr, $3  }
0x3a: {  	_ = 	snop  }
0x3b: {  	_ = 	snop  }
0x3c: {  	p2 =	seq.s32 s10, $0x1;
	s10 =	sld [smem:$0x3FAF]  }
0x3d: {  	_ =	shalt  }
0x3e: {  	_ =	shalt  }
0x3f: {  	_ =	shalt  }
0x40: {  	_ =	shalt  }
0x41: {  	_ =	shalt  }
0x42: {  	_ =	shalt  }
0x43: {  	_ =	shalt  }
0x44: {  	_ =	shalt  }
0x45: {  	_ =	shalt  }
0x46: {  	_ =	shalt  }
0x47: {  	_ =	shalt  }
0x48: {  	_ =	shalt  }
0x49: {  	_ =	shalt  }
0x4a: {  	_ =	shalt  }
0x4b: {  	_ =	shalt  }
0x4c: {  	_ =	shalt  }
0x4d: {  	_ =	shalt  }
0x4e: {  	_ =	shalt  }
0x4f: {  	_ =	shalt  }
0x50: {  	_ =	shalt  }
0x51: {  	_ =	shalt  }
0x52: {  	_ =	shalt  }
0x53: {  	_ =	shalt  }
0x54: {  	_ =	shalt  }
0x55: {  	_ =	shalt  }
0x56: {  	_ =	shalt  }
0x57: {  	_ =	shalt  }
0x58: {  	_ =	shalt  }
0x59: {  	_ =	shalt  }
0x5a: {  	_ =	shalt  }
0x5b: {  	_ =	shalt  }
0x5c: {  	_ =	shalt  }
0x5d: {  	_ =	shalt  }
0x5e: {  	_ =	shalt  }
0x5f: {  	_ =	shalt  }
0x60: {  	_ =	shalt  }
0x61: {  	_ =	shalt  }
0x62: {  	_ =	shalt  }
0x63: {  	_ =	shalt  }
0x64: {  	_ =	shalt  }
0x65: {  	_ =	shalt  }
0x66: {  	_ =	shalt  }
0x67: {  	_ =	shalt  }
0x68: {  	_ =	shalt  }
0x69: {  	_ =	shalt  }
0x6a: {  	_ =	shalt  }
0x6b: {  	_ =	shalt  }
0x6c: {  	_ =	shalt  }
0x6d: {  	_ =	shalt  }
0x6e: {  	_ =	shalt  }
0x6f: {  	_ =	shalt  }
0x70: {  	_ =	shalt  }
0x71: {  	_ =	shalt  }
0x72: {  	_ =	shalt  }
0x73: {  	_ =	shalt  }
0x74: {  	_ =	shalt  }
0x75: {  	_ =	shalt  }
0x76: {  	_ =	shalt  }
0x77: {  	_ =	shalt  }
0x78: {  	_ =	shalt  }
0x79: {  	_ =	shalt  }
0x7a: {  	_ =	shalt  }
0x7b: {  	_ =	shalt  }
0x7c: {  	_ =	shalt  }
0x7d: {  	_ =	shalt  }
0x7e: {  	_ =	shalt  }
0x7f: {  	_ =	shalt  }
0x80: {  	_ =	shalt  }
0x81: {  	_ =	shalt  }
0x82: {  	_ =	shalt  }
0x83: {  	_ =	shalt  }
0x84: {  	_ =	shalt  }
0x85: {  	_ =	shalt  }
0x86: {  	_ =	shalt  }
0x87: {  	_ =	shalt  }
.Lfunc_end0:
.L_simem_size_0:
called_computation_lowered:
.L_overlay_start_0:
0x88: {  	s2 =	sld [smem:$0x3FD9]  }
0x89: {  	s3 =	sld [smem:$0x3FFE];
	_ =	sdelay $0x1  }
0x8a: {  	s1 =	srdreg.scid  }
0x8b: {  	s0 =	sand.u32 $0x1, s1  }
0x8c: {  	s16 =	sshll.u32 s0, $0xA;
	s2 =	sadd.s32 s3, s2  }
0x8d: {  	s2 =	sadd.s32 s2, s16  }
0x8e: {  	[smem:$0x3FBB] =	sst s2  }
0x8f: {  	_ = 	snop  }
0x90: {  	(tm) =	ssettm $0x1  }
0x91: {  	s17 =	sld [smem:$0x3FFB];
	_ =	sdelay $0x3  }
0x92: {  	_ =	strace s17  }
0x93: {  	s2 =	sld [smem:$0x3FFC];
	_ =	sdelay $0x3  }
0x94: {  	_ =	strace s2  }
0x95: {  	s2 =	sld [smem:$0x3FFD];
	_ =	sdelay $0x3  }
0x96: {  	_ =	strace s2  }
0x97: {  	_ =	strace $0x8FFFFFFF  }
0x98: {  	s18 =	sld [smem:$0x3FDB];
	_ =	sdelay $0x1  }
0x99: {  	s19 =	simm.s32 $_scs_section_size  }
0x9a: {  	s4 =	simm.s32 $_size__tile_overlayer_lowered;
	s5 =	simm.s32 $_tile_overlayer_lowered  }
0x9b: {  	s22 =	simm.s32 $0x1BFF;
	s21 =	sshll.u32 s5, $0x1;
	s2 =	sadd.s32 s19, s18  }
0x9c: {  	s6 =	simm.s32 $0x0;
	s20 =	sshll.u32 s4, $0x1;
	s4 =	sadd.s32 s21, s2  }
0x9d: {  	[timem:s6], [sflag:s22] =	dma.local [hbm:s4], s20  }
0x9e: {  	_ =	swait.ge [sflag:s22], s20  }
0x9f: {  	s3 =	ssub.s32 $0x0, s20;
	[sflag:s22] =	ssyncset.done $0x0  }
0xa0: {  	[sflag:s22] =	ssyncadd.s32 s3;
	_ =	sdelay $0x1  }
0xa1: {  	s23 =	simm.s32 $0x1B8B  }
0xa2: {  	_ =	swait.ge [sflag:s23], $0x1  }
0xa3: {  	[sflag:s23] =	ssyncset.done $0x0  }
0xa4: {  	s25 =	simm.s32 $0x1B8E;
	s24 =	sld [smem:$0x3FFE];
	[sflag:s23] =	ssyncadd.s32 $0xFFFFFFFF  }
0xa5: {  	s26 =	simm.s32 $execute0_lowered;
	[smem:$0x3FD2] =	sst s25  }
0xa6: {  	s4 =	sshll.u32 s26, $0x1;
	_ =	strace $0x80000046;
	[dreg:$0x1] =	wrdreg $0xFFFFFFFF  }
0xa7: {  	s28 =	simm.s32 $_size_execute0_lowered;
	s2 =	sadd.s32 s2, s4;
	[dreg:$0x0] =	wrdreg $0x0  }
0xa8: {  	s4 =	sshll.u32 s28, $0x1;
	[dreg:$0x2] =	wrdreg s2  }
0xa9: {  	[dreg:$0x3] =	wrdreg s4  }
0xaa: {  	[dreg:$0x4] =	wrdreg $0xC0  }
0xab: {  	_ =	task [dreg:s6], $0x5FFFF  }
0xac: {  	[dreg:$0x1] =	wrdreg $0xFFFFFFFF  }
0xad: {  	[dreg:$0x0] =	wrdreg $0x60  }
0xae: {  	[dreg:$0x2] =	wrdreg s24  }
0xaf: {  	[dreg:$0x3] =	wrdreg $0x10F000  }
0xb0: {  	[dreg:$0x4] =	wrdreg $0x9  }
0xb1: {  	_ =	task.clear_ibuf [dreg:s6], $0x5FFFF;
	_ =	strace $0x90000046  }
0xb2: {  	s29 =	simm.s32 $0x9;
	_ =	strace $0x80000048  }
0xb3: {  	_ =	swait.ge [sflag:s29], $0x1  }
0xb4: {  	[sflag:s29] =	ssyncadd.s32 $0xFFFFFFFF  }
0xb5: {  	_ =	strace $0x90000048  }
0xb6: {  	_ =	sfence  }
0xb7: {  	s30 =	sld [smem:$0x0];
	_ =	sdelay $0x2  }
0xb8: {  	s31 =	sshll.u32 s1, $0xD;
	s1 =	sshrl.u32 s1, $0x2  }
0xb9: {  	s3 =	sand.u32 $0x4000, s31;
	s1 =	sadd.s32 s1, s30  }
0xba: {  	s0 =	sor.u32 s3, s0;
	s1 =	sshll.u32 s1, $0x11  }
0xbb: {  	s0 =	sor.u32 s1, s0  }
0xbc: {  	s0 =	sadd.s32 $0x8F2B, s0  }
0xbd: {  	[sflag:s0] =	ssyncadd.remote.s32 $0x1  }
0xbe: {  	_ =	sfence.sel $0xFFFF  }
0xbf: {  	[dreg:$0x0] =	wrdreg $0xFFFFFFFF;
	(pc) =	sbr.abs _section_cstart, $3  }
0xc0: {  	[dreg:$0x1] =	wrdreg $0xFFFFFFFF  }
0xc1: {  	_ =	task.clear_ibuf [dreg:s6], $0x2FFFF;
	_ =	strace $0x9FFFFFFF  }
0xc2: {  	(tm) =	ssettm $0x7FFFFFFF  }
0xc3: {  	_ =	shalt  }
tec
execute0_lowered:
.L_overlay_start_1:
0x0: {  	(tag) =	ssettag $0x1  }
0x1: {  	s0 =	rddreg [dreg:$0x0]  }
0x2: {  	s2 =	rddreg [dreg:$0x1];
	s10 =	stileid.u32  }
0x3: {  	s1 =	srdreg.scid;
	s4 =	simm.s32 $0x0;
	s12 =	simm.s32 $0x80  }
0x4: {  	s14 =	simm.s32 $0xD;
	s16 =	simm.s32 $0x4F00;
	s17 =	simm.s32 $0x6F00  }
0x5: {  	s18 =	simm.s32 $0x8F00;
	s30 =	simm.s32 $0xEF00;
	s31 =	simm.s32 $0x3  }
0x6: {  	s29 =	simm.s32 $0x8;
	s28 =	simm.s32 $0x6;
	s3 =	smul.u32 $0xA000, s10  }
0x7: {  	s1 =	sand.u32 $0x1, s1;
	[smem:$0x7FF] =	sst s4;
	s4 =	sadd.s32 $0x16C00, s0  }
0x8: {  	s7 =	sadd.s32 $0x3200, s0;
	s20 =	sshll.u32 s10, $0x5;
	s26 =	sshll.u32 s10, $0x6  }
0x9: {  	s5 =	smul.u32 $0xA0000, s1;
	_ =	strace $0x80000047;
	s6 =	sshll.u32 s1, $0x4  }
0xa: {  	s1 =	ssub.s32 $0x2, s1;
	s22 =	sadd.s32 s20, s7;
	s20 =	simm.s32 $0xAF00  }
0xb: {  	s6 =	sor.u32 s10, s6;
	s8 =	sshrl.u32 s3, $0x3;
	s19 =	sshrl.u32 s1, $0x1  }
0xc: {  	s24 =	sadd.s32 $0x13800, s22;
	s5 =	sadd.s32 s3, s5;
	s9 =	smul.u32 $0x9C0, s6  }
0xd: {  	s8 =	sadd.s32 s8, s0;
	s1 =	ssub.s32 s1, s19;
	s3 =	sadd.s32 s3, s2  }
0xe: {  	[dreg:$0x6] =	wrdreg s24;
	p0 =	sgt.u32 s6, $0x3;
	s24 =	simm.s32 $0x4  }
0xf: {  	s19 =	simm.s32 $0x5;
	s6 =	simm.s32 $0xB;
	s5 =	sshrl.u32 s5, $0x3  }
0x10: {  	s23 =	sadd.s32 $0x2A600, s8;
	s25 =	smax.u32 s1, $0x1;
	s1 =	simm.s32 $0x7  }
0x11: {  	s8 =	simm.s32 $0x0;
	s0 =	sadd.s32 s5, s0;
	[dreg:$0x5] =	wrdreg s23  }
0x12: {  	s11 =	sadd.s32 s7, s9;
	s5 =	sadd.s32 $0x13810, s22;
	[dreg:$0x9] =	wrdreg s25  }
.Ltmp0:
0x13: {  	s22 =	sshrl.u32 s3, $0x3;
	[dreg:$0x3] =	wrdreg s11;
	(pc) =	sbr.rel .LBB2_1-.Ltmp0, $4  }
0x14: {  	s23 =	simm.s32 $0x1;
	s21 =	sadd.s32 $0x10, s11;
	[dreg:$0x7] =	wrdreg s5  }
0x15: {  	s25 =	simm.s32 $0xCF00;
	s0 =	sadd.s32 $0x3E600, s0;
	[dreg:$0x4] =	wrdreg s21  }
0x16: {  	s3 =	simm.s32 $0xA;
	s7 =	simm.s32 $0xC;
	[dreg:$0x8] =	wrdreg s0  }
0x17: {  	s21 =	sor.u32 $0x1C0D, s26;
	s26 =	simm.s32 $0x2;
	s0 =	simm.s32 $0x9  }
.LBB2_4:
0x18: {  	_ =	swait.ge [sflag:s28], $0x2000  }
0x19: {  	[sflag:s28] =	ssyncset.done $0x0  }
0x1a: {  	[sflag:s28] =	ssyncadd.s32 $0xFFFFE000  }
0x1b: {  	[spmem:s2] =	stream.indirect.scatter.add.f32 [tilespmem:s30], [sflag:$0xC], $0x40, s10, s12, $0xb8;
	[tilespmem:$0x1AF00] =	vst v63  }
0x1c: {  	_ =	swait.ge [sflag:s3], $0x2000  }
0x1d: {  	[sflag:s3] =	ssyncset.done $0x0  }
0x1e: {  	[sflag:s3] =	ssyncadd.s32 $0xFFFFE000  }
0x1f: {  	_ =	swait.ge [sflag:s6], $0x2000  }
0x20: {  	[sflag:s6] =	ssyncset.done $0x0  }
0x21: {  	[sflag:s6] =	ssyncadd.s32 $0xFFFFE000  }
0x22: {  	_ =	swait.ge [sflag:s7], $0x2000  }
0x23: {  	s5 =	simm.s32 @!p0 $0x0;
	[sflag:s7] =	ssyncset.done $0x0  }
0x24: {  	s9 =	simm.s32 @!p0 $0x4E00;
	s10 =	rddreg [dreg:$0x6];
	[sflag:s7] =	ssyncadd.s32 $0xFFFFE000  }
0x25: {  	[tilespmem:s9], [sflag:$0xD] =	stream.linear.gather @!p0 [hbm4b:s10+s5], $0x80, $0x38;
	[tilespmem:$0x1AF00] =	vst v63  }
0x26: {  	s10 =	simm.s32 @!p0 $0xD  }
0x27: {  	_ =	swait.ge @!p0 [sflag:s10], $0x80  }
0x28: {  	[sflag:s10] =	ssyncset.done @!p0 $0x0  }
0x29: {  	s11 =	simm.s32 @!p0 $0x4E80;
	s13 =	rddreg [dreg:$0x7];
	[sflag:s10] =	ssyncadd.s32 @!p0 $0xFFFFFF80  }
0x2a: {  	[tilespmem:s11], [sflag:$0xD] =	stream.linear.gather @!p0 [hbm4b:s13+s5], $0x80, $0x38;
	[tilespmem:$0x1AF00] =	vst v63  }
0x2b: {  	_ =	swait.ge @!p0 [sflag:s10], $0x80  }
0x2c: {  	[sflag:s10] =	ssyncset.done @!p0 $0x0  }
0x2d: {  	s5 =	simm.s32 @!p0 $0x80;
	s13 =	simm.s32 @!p0 $0x4F00;
	[sflag:s10] =	ssyncadd.s32 @!p0 $0xFFFFFF80  }
0x2e: {  	[tilespmem:s13], [sflag:$0x1] =	stream.indirect.gather @!p0 [hbm4b:s4+s5], $0x40, s9, s5, $0xb8;
	[tilespmem:$0x1AF00] =	vst v63  }
0x2f: {  	s9 =	simm.s32 @!p0 $0x1  }
0x30: {  	_ =	swait.ge @!p0 [sflag:s9], $0x2000  }
0x31: {  	[sflag:s9] =	ssyncset.done @!p0 $0x0  }
0x32: {  	[sflag:s9] =	ssyncadd.s32 @!p0 $0xFFFFE000  }
0x33: {  	[spmem:s2] =	stream.indirect.scatter.add.f32 @!p0 [tilespmem:s13], [sflag:$0xD], $0x40, s11, s5, $0xb8;
	[tilespmem:$0x1AF00] =	vst v63  }
0x34: {  	_ =	swait.ge @!p0 [sflag:s10], $0x2000  }
0x35: {  	[sflag:s10] =	ssyncset.done @!p0 $0x0  }
0x36: {  	[sflag:s10] =	ssyncadd.s32 @!p0 $0xFFFFE000  }
0x37: {  	[bflag:$0x0] =	sbarrier.arrive $0xFFFF  }
0x38: {  	s13 =	rddreg [dreg:$0x8]  }
0x39: {  	[hbm:s13], [sflag:s21] =	dma.local [spmem:s22], $0x1400  }
0x3a: {  	_ =	swait.ge [sflag:s14], $0x1400  }
0x3b: {  	s8 =	sadd.s32 $0x1, s8;
	s15 =	rddreg [dreg:$0x9]  }
0x3c: {  	p1 =	sne.s32 s8, s15  }
.Ltmp1:
0x3d: {  	_ = 	snop;
	(pc) =	sbr.rel @!p1 .LBB2_5-.Ltmp1, $3  }
0x3e: {  	_ =	sdelay $0x1  }
0x3f: {  	[sflag:s14] =	ssyncset.done $0x0  }
0x40: {  	[sflag:s14] =	ssyncadd.s32 $0xFFFFEC00  }
.LBB2_1:
0x41: {  	s5 =	simm.s32 $0x0;
	s9 =	rddreg [dreg:$0x3];
	s10 =	simm.s32 $0x100  }
0x42: {  	[tilespmem:s5], [sflag:$0xD] =	stream.strided.gather [hbm4b:s9+s12], $0x2700, s10, s12, $0x38;
	[tilespmem:$0x1AF00] =	vst v63  }
0x43: {  	_ =	swait.ge [sflag:s14], $0x2700  }
0x44: {  	[sflag:s14] =	ssyncset.done $0x0  }
0x45: {  	s11 =	simm.s32 $0x2700;
	s15 =	rddreg [dreg:$0x4];
	[sflag:s14] =	ssyncadd.s32 $0xFFFFD900  }
0x46: {  	[tilespmem:s11], [sflag:$0xD] =	stream.strided.gather [hbm4b:s15+s12], $0x2700, s10, s12, $0x38;
	[tilespmem:$0x1AF00] =	vst v63  }
0x47: {  	_ =	swait.ge [sflag:s14], $0x2700  }
0x48: {  	[sflag:s14] =	ssyncset.done $0x0  }
0x49: {  	[sflag:s14] =	ssyncadd.s32 $0xFFFFD900  }
0x4a: {  	[tilespmem:s16], [sflag:$0x1] =	stream.indirect.gather [hbm4b:s4+s12], $0x40, s5, s12, $0xb8;
	[tilespmem:$0x1AF00] =	vst v63  }
0x4b: {  	_ = 	snop  }
0x4c: {  	[tilespmem:s17], [sflag:$0x2] =	stream.indirect.gather [hbm4b:s4+s12], $0x40, s12, s12, $0xb8;
	[tilespmem:$0x1AF00] =	vst v63  }
0x4d: {  	_ = 	snop  }
0x4e: {  	[tilespmem:s18], [sflag:$0x3] =	stream.indirect.gather [hbm4b:s4+s12], $0x40, s10, s12, $0xb8;
	[tilespmem:$0x1AF00] =	vst v63  }
0x4f: {  	s13 =	rddreg [dreg:$0x5];
	s10 =	simm.s32 $0x180  }
0x50: {  	[tilespmem:s20], [sflag:$0x4] =	stream.indirect.gather [hbm4b:s4+s12], $0x40, s10, s12, $0xb8;
	[tilespmem:$0x1AF00] =	vst v63  }
0x51: {  	[spmem:s22], [sflag:s21] =	dma.local [hbm:s13], $0x1400  }
0x52: {  	_ =	swait.ge [sflag:s14], $0x1400  }
0x53: {  	[sflag:s14] =	ssyncset.done $0x0  }
0x54: {  	[sflag:s14] =	ssyncadd.s32 $0xFFFFEC00  }
0x55: {  	[bflag:$0x0] =	sbarrier.arrive $0xFFFF  }
0x56: {  	_ =	swait.ge [sflag:s23], $0x2000  }
0x57: {  	[sflag:s23] =	ssyncset.done $0x0  }
0x58: {  	[sflag:s23] =	ssyncadd.s32 $0xFFFFE000  }
0x59: {  	[spmem:s2] =	stream.indirect.scatter.add.f32 [tilespmem:s16], [sflag:$0x7], $0x40, s11, s12, $0xb8;
	[tilespmem:$0x1AF00] =	vst v63  }
0x5a: {  	s15 =	simm.s32 $0x200  }
0x5b: {  	[tilespmem:s25], [sflag:$0x5] =	stream.indirect.gather [hbm4b:s4+s12], $0x40, s15, s12, $0xb8;
	[tilespmem:$0x1AF00] =	vst v63  }
0x5c: {  	_ =	swait.ge [sflag:s26], $0x2000  }
0x5d: {  	[sflag:s26] =	ssyncset.done $0x0  }
0x5e: {  	s9 =	simm.s32 $0x2780;
	[sflag:s26] =	ssyncadd.s32 $0xFFFFE000  }
0x5f: {  	[spmem:s2] =	stream.indirect.scatter.add.f32 [tilespmem:s17], [sflag:$0x8], $0x40, s9, s12, $0xb8;
	[tilespmem:$0x1AF00] =	vst v63  }
0x60: {  	s10 =	simm.s32 $0x280  }
0x61: {  	[tilespmem:s30], [sflag:$0x6] =	stream.indirect.gather [hbm4b:s4+s12], $0x40, s10, s12, $0xb8;
	[tilespmem:$0x1AF00] =	vst v63  }
0x62: {  	_ =	swait.ge [sflag:s31], $0x2000  }
0x63: {  	[sflag:s31] =	ssyncset.done $0x0  }
0x64: {  	s11 =	simm.s32 $0x2800;
	[sflag:s31] =	ssyncadd.s32 $0xFFFFE000  }
0x65: {  	[spmem:s2] =	stream.indirect.scatter.add.f32 [tilespmem:s18], [sflag:$0x9], $0x40, s11, s12, $0xb8;
	[tilespmem:$0x1AF00] =	vst v63  }
0x66: {  	_ =	swait.ge [sflag:s1], $0x2000  }
0x67: {  	[sflag:s1] =	ssyncset.done $0x0  }
0x68: {  	s13 =	simm.s32 $0x300;
	[sflag:s1] =	ssyncadd.s32 $0xFFFFE000  }
0x69: {  	[tilespmem:s16], [sflag:$0x1] =	stream.indirect.gather [hbm4b:s4+s12], $0x40, s13, s12, $0xb8;
	[tilespmem:$0x1AF00] =	vst v63  }
0x6a: {  	_ =	swait.ge [sflag:s24], $0x2000  }
0x6b: {  	[sflag:s24] =	ssyncset.done $0x0  }
0x6c: {  	s15 =	simm.s32 $0x2880;
	[sflag:s24] =	ssyncadd.s32 $0xFFFFE000  }
0x6d: {  	[spmem:s2] =	stream.indirect.scatter.add.f32 [tilespmem:s20], [sflag:$0xA], $0x40, s15, s12, $0xb8;
	[tilespmem:$0x1AF00] =	vst v63  }
0x6e: {  	_ =	swait.ge [sflag:s29], $0x2000  }
0x6f: {  	[sflag:s29] =	ssyncset.done $0x0  }
0x70: {  	s9 =	simm.s32 $0x380;
	[sflag:s29] =	ssyncadd.s32 $0xFFFFE000  }
0x71: {  	[tilespmem:s17], [sflag:$0x2] =	stream.indirect.gather [hbm4b:s4+s12], $0x40, s9, s12, $0xb8;
	[tilespmem:$0x1AF00] =	vst v63  }
0x72: {  	_ =	swait.ge [sflag:s19], $0x2000  }
0x73: {  	[sflag:s19] =	ssyncset.done $0x0  }
0x74: {  	s10 =	simm.s32 $0x2900;
	[sflag:s19] =	ssyncadd.s32 $0xFFFFE000  }
0x75: {  	[spmem:s2] =	stream.indirect.scatter.add.f32 [tilespmem:s25], [sflag:$0xB], $0x40, s10, s12, $0xb8;
	[tilespmem:$0x1AF00] =	vst v63  }
0x76: {  	_ =	swait.ge [sflag:s0], $0x2000  }
0x77: {  	[sflag:s0] =	ssyncset.done $0x0  }
0x78: {  	s11 =	simm.s32 $0x400;
	[sflag:s0] =	ssyncadd.s32 $0xFFFFE000  }
0x79: {  	[tilespmem:s18], [sflag:$0x3] =	stream.indirect.gather [hbm4b:s4+s12], $0x40, s11, s12, $0xb8;
	[tilespmem:$0x1AF00] =	vst v63  }
0x7a: {  	_ =	swait.ge [sflag:s28], $0x2000  }
0x7b: {  	[sflag:s28] =	ssyncset.done $0x0  }
0x7c: {  	s13 =	simm.s32 $0x2980;
	[sflag:s28] =	ssyncadd.s32 $0xFFFFE000  }
0x7d: {  	[spmem:s2] =	stream.indirect.scatter.add.f32 [tilespmem:s30], [sflag:$0xC], $0x40, s13, s12, $0xb8;
	[tilespmem:$0x1AF00] =	vst v63  }
0x7e: {  	_ =	swait.ge [sflag:s3], $0x2000  }
0x7f: {  	[sflag:s3] =	ssyncset.done $0x0  }
0x80: {  	s5 =	simm.s32 $0x0;
	s15 =	simm.s32 $0x480;
	[sflag:s3] =	ssyncadd.s32 $0xFFFFE000  }
0x81: {  	[tilespmem:s20], [sflag:$0x4] =	stream.indirect.gather [hbm4b:s4+s12], $0x40, s15, s12, $0xb8;
	[tilespmem:$0x1AF00] =	vst v63  }
.LBB2_2:
0x82: {  	_ =	swait.ge [sflag:s23], $0x2000  }
0x83: {  	s9 =	sshra.s32 s5, $0x2;
	[sflag:s23] =	ssyncset.done $0x0  }
0x84: {  	s10 =	sadd.s32 $0x2A00, s9;
	[sflag:s23] =	ssyncadd.s32 $0xFFFFE000  }
0x85: {  	[spmem:s2] =	stream.indirect.scatter.add.f32 [tilespmem:s16], [sflag:$0x7], $0x40, s10, s12, $0xb8;
	[tilespmem:$0x1AF00] =	vst v63  }
0x86: {  	_ =	swait.ge [sflag:s6], $0x2000  }
0x87: {  	[sflag:s6] =	ssyncset.done $0x0  }
0x88: {  	s13 =	sadd.s32 $0x500, s9;
	[sflag:s6] =	ssyncadd.s32 $0xFFFFE000  }
0x89: {  	[tilespmem:s25], [sflag:$0x5] =	stream.indirect.gather [hbm4b:s4+s12], $0x40, s13, s12, $0xb8;
	[tilespmem:$0x1AF00] =	vst v63  }
0x8a: {  	_ =	swait.ge [sflag:s26], $0x2000  }
0x8b: {  	[sflag:s26] =	ssyncset.done $0x0  }
0x8c: {  	s15 =	sadd.s32 $0x2A80, s9;
	[sflag:s26] =	ssyncadd.s32 $0xFFFFE000  }
0x8d: {  	[spmem:s2] =	stream.indirect.scatter.add.f32 [tilespmem:s17], [sflag:$0x8], $0x40, s15, s12, $0xb8;
	[tilespmem:$0x1AF00] =	vst v63  }
0x8e: {  	_ =	swait.ge [sflag:s7], $0x2000  }
0x8f: {  	[sflag:s7] =	ssyncset.done $0x0  }
0x90: {  	s11 =	sadd.s32 $0x580, s9;
	[sflag:s7] =	ssyncadd.s32 $0xFFFFE000  }
0x91: {  	[tilespmem:s30], [sflag:$0x6] =	stream.indirect.gather [hbm4b:s4+s12], $0x40, s11, s12, $0xb8;
	[tilespmem:$0x1AF00] =	vst v63  }
0x92: {  	_ =	swait.ge [sflag:s31], $0x2000  }
0x93: {  	[sflag:s31] =	ssyncset.done $0x0  }
0x94: {  	s13 =	sadd.s32 $0x2B00, s9;
	[sflag:s31] =	ssyncadd.s32 $0xFFFFE000  }
0x95: {  	[spmem:s2] =	stream.indirect.scatter.add.f32 [tilespmem:s18], [sflag:$0x9], $0x40, s13, s12, $0xb8;
	[tilespmem:$0x1AF00] =	vst v63  }
0x96: {  	_ =	swait.ge [sflag:s1], $0x2000  }
0x97: {  	p1 =	seq.s32 s5, $0x8400;
	[sflag:s1] =	ssyncset.done $0x0  }
0x98: {  	s10 =	simm.s32 @p1 $0x4;
	[sflag:s1] =	ssyncadd.s32 $0xFFFFE000  }
0x99: {  	_ =	swait.ge @p1 [sflag:s10], $0x2000  }
0x9a: {  	[sflag:s10] =	ssyncset.done @p1 $0x0  }
0x9b: {  	[sflag:s10] =	ssyncadd.s32 @p1 $0xFFFFE000;
	s10 =	sshra.s32 @p1 s5, $0x2  }
0x9c: {  	s15 =	simm.s32 @p1 $0xAF00;
	s11 =	simm.s32 @p1 $0x80;
	s10 =	sadd.s32 @p1 $0x2B80, s10  }
0x9d: {  	[spmem:s2] =	stream.indirect.scatter.add.f32 @p1 [tilespmem:s15], [sflag:$0xA], $0x40, s10, s11, $0xb8;
	[tilespmem:$0x1AF00] =	vst v63  }
0x9e: {  	s10 =	simm.s32 @p1 $0x8  }
0x9f: {  	_ =	swait.ge @p1 [sflag:s10], $0x2000  }
0xa0: {  	[sflag:s10] =	ssyncset.done @p1 $0x0  }
0xa1: {  	[sflag:s10] =	ssyncadd.s32 @p1 $0xFFFFE000;
	s10 =	sshra.s32 @!p1 s5, $0x2  }
0xa2: {  	s13 =	simm.s32 @!p1 $0x4F00;
	s15 =	simm.s32 @!p1 $0x80;
	s11 =	sadd.s32 @!p1 $0x600, s10  }
0xa3: {  	[tilespmem:s13], [sflag:$0x1] =	stream.indirect.gather @!p1 [hbm4b:s4+s15], $0x40, s11, s15, $0xb8;
	[tilespmem:$0x1AF00] =	vst v63  }
0xa4: {  	s11 =	simm.s32 @!p1 $0x4  }
0xa5: {  	_ =	swait.ge @!p1 [sflag:s11], $0x2000  }
0xa6: {  	[sflag:s11] =	ssyncset.done @!p1 $0x0  }
0xa7: {  	s13 =	simm.s32 @!p1 $0xAF00;
	[sflag:s11] =	ssyncadd.s32 @!p1 $0xFFFFE000;
	s11 =	sadd.s32 @!p1 $0x2B80, s10  }
0xa8: {  	[spmem:s2] =	stream.indirect.scatter.add.f32 @!p1 [tilespmem:s13], [sflag:$0xA], $0x40, s11, s15, $0xb8;
	[tilespmem:$0x1AF00] =	vst v63  }
0xa9: {  	s11 =	simm.s32 @!p1 $0x8  }
0xaa: {  	_ =	swait.ge @!p1 [sflag:s11], $0x2000  }
0xab: {  	[sflag:s11] =	ssyncset.done @!p1 $0x0  }
0xac: {  	s10 =	sadd.s32 @!p1 $0x680, s10;
	[sflag:s11] =	ssyncadd.s32 @!p1 $0xFFFFE000;
	s11 =	simm.s32 @!p1 $0x6F00  }
0xad: {  	[tilespmem:s11], [sflag:$0x2] =	stream.indirect.gather @!p1 [hbm4b:s4+s15], $0x40, s10, s15, $0xb8;
	[tilespmem:$0x1AF00] =	vst v63  }
0xae: {  	_ =	swait.ge [sflag:s19], $0x2000  }
0xaf: {  	[sflag:s19] =	ssyncset.done $0x0  }
.Ltmp2:
0xb0: {  	s15 =	sadd.s32 $0x2C00, s9;
	[sflag:s19] =	ssyncadd.s32 $0xFFFFE000;
	(pc) =	sbr.rel @p1 .LBB2_4-.Ltmp2, $4  }
0xb1: {  	[spmem:s2] =	stream.indirect.scatter.add.f32 [tilespmem:s25], [sflag:$0xB], $0x40, s15, s12, $0xb8;
	[tilespmem:$0x1AF00] =	vst v63  }
0xb2: {  	_ =	swait.ge [sflag:s0], $0x2000  }
0xb3: {  	[sflag:s0] =	ssyncset.done $0x0  }
0xb4: {  	s10 =	sadd.s32 $0x2C80, s9;
	[sflag:s0] =	ssyncadd.s32 $0xFFFFE000  }
0xb5: {  	s11 =	sadd.s32 $0x700, s9  }
0xb6: {  	[tilespmem:s18], [sflag:$0x3] =	stream.indirect.gather [hbm4b:s4+s12], $0x40, s11, s12, $0xb8;
	[tilespmem:$0x1AF00] =	vst v63  }
0xb7: {  	_ =	swait.ge [sflag:s28], $0x2000  }
0xb8: {  	[sflag:s28] =	ssyncset.done $0x0  }
0xb9: {  	[sflag:s28] =	ssyncadd.s32 $0xFFFFE000  }
0xba: {  	[spmem:s2] =	stream.indirect.scatter.add.f32 [tilespmem:s30], [sflag:$0xC], $0x40, s10, s12, $0xb8;
	[tilespmem:$0x1AF00] =	vst v63  }
.Ltmp3:
0xbb: {  	_ = 	snop;
	(pc) =	sbr.rel .LBB2_2-.Ltmp3, $4  }
0xbc: {  	_ =	swait.ge [sflag:s3], $0x2000  }
0xbd: {  	[sflag:s3] =	ssyncset.done $0x0  }
0xbe: {  	s15 =	sadd.s32 $0x780, s9;
	s5 =	sadd.s32 $0xC00, s5;
	[sflag:s3] =	ssyncadd.s32 $0xFFFFE000  }
0xbf: {  	[tilespmem:s20], [sflag:$0x4] =	stream.indirect.gather [hbm4b:s4+s12], $0x40, s15, s12, $0xb8;
	[tilespmem:$0x1AF00] =	vst v63  }
.LBB2_5:
0xc0: {  	_ =	sfence.sel $0x180000  }
0xc1: {  	[bflag:$0x0] =	sbarrier.arrive $0xFFFF  }
0xc2: {  	_ =	strace $0x90000047  }
0xc3: {  	s0 =	stileid.u32;
	[bflag:$0x2] =	sbarrier.arrive $0xFFFF  }
0xc4: {  	p0 =	sne.s32 s0, $0x0;
	s0 =	rddreg [dreg:$0x2]  }
0xc5: {  	s0 =	sadd.s32 @!p0 $0x100000, s0  }
0xc6: {  	[sflag:s0] =	ssyncadd.tile.s32 @!p0 $0x1;
	_ =	shalt  }
.Lfunc_end2:
_tile_overlayer_lowered:
.L_overlay_start_2:
0xc7: {  	(tag) =	ssettag $0x2  }
0xc8: {  	s0 =	rddreg [dreg:$0x0];
	s2 =	stileid.u32  }
0xc9: {  	s1 =	rddreg [dreg:$0x1];
	p0 =	sne.s32 s2, $0x0  }
0xca: {  	s3 =	rddreg [dreg:$0x2];
	[bflag:$0x3] =	sbarrier.arrive $0xFFFF;
	s2 =	simm.s32 @!p0 $0x1C0D  }
0xcb: {  	[timem:s3], [sflag:s2] =	dma.local @!p0 [hbm:s0], s1  }
0xcc: {  	s0 =	simm.s32 @!p0 $0xD  }
0xcd: {  	_ =	swait.ge @!p0 [sflag:s0], s1  }
0xce: {  	s1 =	ssub.s32 @!p0 $0x0, s1;
	[sflag:s0] =	ssyncset.done @!p0 $0x0  }
0xcf: {  	[sflag:s0] =	ssyncadd.s32 @!p0 s1  }
0xd0: {  	[bflag:$0x3] =	sbarrier.arrive $0xFFFF  }
0xd1: {  	_ =	shalt  }

</sc_bundles>
